<compile_context>
chip_gen: v7x
topology: tpu7x:2x2x1
jax: 0.10.2.dev20260603
libtpu: 0.0.44.dev20260713+nightly
codegen_flags: <defaults>
</compile_context>

<pallas_src>
import functools

import numpy as np
import jax
import jax.numpy as jnp
from jax import lax
from jax.experimental import pallas as pl
from jax.experimental.pallas import tpu as pltpu
from jax.experimental.pallas import tpu_sc as plsc

_H = 224
_PAD = 243
_NSEQ = _H * _H
_NC, _NS, _L = 2, 16, 16
_NW = _NC * _NS
_NIMG = 8 * 96
_IMGS_PW = _NIMG // _NW
_NCHUNK = 8
_CHUNK = _NSEQ // _NCHUNK


def _peano_coords(level):
    if level == 0:
        return [(0, 0)]
    sub = _peano_coords(level - 1)
    size = 3 ** (level - 1)
    blocks = [(0, 0, 0), (0, 1, 0), (0, 2, 0), (1, 2, 1), (1, 1, 1),
              (1, 0, 1), (2, 0, 0), (2, 1, 0), (2, 2, 0)]
    out = []
    for bx, by, rot in blocks:
        for x, y in sub:
            if rot:
                x, y = (y, x)
            out.append((bx * size + x, by * size + y))
    return out


def _source_indices() -> np.ndarray:
    coords = _peano_coords(5)[:_NSEQ]
    rr = np.array([r for r, _ in coords])
    cc = np.array([c for _, c in coords])
    src = np.full(_NSEQ, _H << 8, dtype=np.int64)
    valid = (rr < _H) & (cc < _H)
    src[valid] = (rr[valid] << 8) | cc[valid]
    grouped = src.reshape(-1, 2, _L)
    shuffled = grouped.transpose(0, 2, 1).reshape(-1)
    return shuffled.astype(np.uint16).view(np.int32)


_SRC = _source_indices()


def _sc_body(x_hbm, idx_hbm, out_hbm, idx_v, img_v, out0, out1, sem0, sem1):
    wid = lax.axis_index("s") * _NC + lax.axis_index("c")
    pltpu.sync_copy(idx_hbm, idx_v)
    img_v[_H, pl.ds(0, _L)] = jnp.zeros((_L,), jnp.float32)

    bufs = (out0, out1)
    sems = (sem0, sem1)
    for b in range(2):
        pltpu.async_copy(out_hbm.at[0, 0, pl.ds(b * _CHUNK, _CHUNK)],
                         bufs[b], sems[b])

    def per_image(n, _):
        row = wid * _IMGS_PW + n
        bi = row // 96
        ci = row - bi * 96
        pltpu.sync_copy(x_hbm.at[bi, ci], img_v.at[pl.ds(0, _H), :])
        for k in range(_NCHUNK):
            buf, sem = bufs[k % 2], sems[k % 2]
            pltpu.make_async_copy(
                buf, out_hbm.at[0, 0, pl.ds(k * _CHUNK, _CHUNK)], sem).wait()

            @plsc.parallel_loop(0, _CHUNK, step=2 * _L, unroll=4)
            def gather_vec(off):
                ab = idx_v[pl.ds((k * _CHUNK + off) // 2, _L)]
                lo = lax.bitwise_and(ab, 0xFFFF)
                hi = lax.shift_right_logical(ab, 16)
                for h, iv in enumerate((lo, hi)):
                    ivr = lax.shift_right_logical(iv, 8)
                    ivc = lax.bitwise_and(iv, 255)
                    buf[pl.ds(off + h * _L, _L)] = plsc.load_gather(
                        img_v, [ivr, ivc])

            pltpu.async_copy(buf,
                             out_hbm.at[bi, ci, pl.ds(k * _CHUNK, _CHUNK)],
                             sem)
        return 0

    lax.fori_loop(0, _IMGS_PW, per_image, 0)
    for b in range(2):
        pltpu.make_async_copy(bufs[b], out_hbm.at[0, 0, pl.ds(b * _CHUNK, _CHUNK)],
                              sems[b]).wait()


@functools.partial(jax.jit, static_argnums=())
def _peano_gather(xf, src):
    mesh = plsc.VectorSubcoreMesh(core_axis_name="c", subcore_axis_name="s")
    f = pl.kernel(
        _sc_body,
        out_type=jax.ShapeDtypeStruct((8, 96, _NSEQ), jnp.float32),
        name="peano_sc_gather",
        mesh=mesh,
        scratch_types=[
            pltpu.VMEM((_NSEQ // 2,), jnp.int32),
            pltpu.VMEM((_H + 8, _H), jnp.float32),
            pltpu.VMEM((_CHUNK,), jnp.float32),
            pltpu.VMEM((_CHUNK,), jnp.float32),
            pltpu.SemaphoreType.DMA,
            pltpu.SemaphoreType.DMA,
        ],
        compiler_params=pltpu.CompilerParams(needs_layout_passes=False),
    )
    return f(xf, src)


def kernel(x):
    B, C, H, W = x.shape
    assert (B * C, H, W) == (_NIMG, _H, _H)
    return _peano_gather(x, jnp.asarray(_SRC))

# --- scband reference (transcript-rebuilt; emitter-appended) ---
"""Pipeline reference for scband-fast-peano-transform-58265526337596 (READ-ONLY COPY).

The authoritative reference and input builder live on the scoring server;
editing this copy changes nothing except your own understanding.
"""

import jax, jax.numpy as jnp
import numpy as np


def _compute_coords(level):
    if level == 0:
        return [(0, 0)]
    sub = _compute_coords(level - 1)
    size = 3 ** (level - 1)
    blocks = [(0, 0, 0), (0, 1, 0), (0, 2, 0), (1, 2, 1), (1, 1, 1), (1, 0, 1), (2, 0, 0), (2, 1, 0), (2, 2, 0)]
    coords_list = []
    for bx, by, rot in blocks:
        for x, y in sub:
            if rot:
                x, y = (y, x)
            coords_list.append((bx * size + x, by * size + y))
    return coords_list


def _build_idx(N):
    k = 0
    while 3 ** k < N:
        k += 1
    pad = 3 ** k
    coords_full = _compute_coords(k)
    linear_idx = np.array([r * pad + c for r, c in coords_full], dtype=np.int64)
    return linear_idx, pad


def setup_inputs(seed: int = 0) -> dict:
    key = jax.random.key(seed)
    x = jax.random.normal(key, (8, 96, 224, 224), dtype=jnp.float32)
    return {"x": x}


def reference(x):
    # FastPeanoTransform.flatten: pad to 3^k square, gather along Peano curve, truncate
    B, C, H, W = x.shape
    N = H
    idx_full, pad = _build_idx(N)
    x_pad = jnp.pad(x, ((0, 0), (0, 0), (0, pad - H), (0, pad - W)))
    flat = x_pad.reshape(B, C, pad * pad)
    seq_full = jnp.take(flat, jnp.asarray(idx_full), axis=2)
    return seq_full[..., : N * N]

if __name__ == "__main__":
    import jax
    _d = setup_inputs()
    print(jax.jit(kernel)(*tuple(_d.values())))

</pallas_src>

<mosaic_0001>
#map = affine_map<(d0, d1) -> (0, 0, 0, 0)>
#map1 = affine_map<(d0, d1) -> (0)>
#map2 = affine_map<(d0, d1) -> (0, 0, 0)>
module attributes {stable_mosaic.version = 14 : i64} {
  func.func @peano_sc_gather(%arg0: i32, %arg1: i32, %arg2: memref<8x96x224x224xf32, #tpu.memory_space<hbm>>, %arg3: memref<25088xi32, #tpu.memory_space<hbm>>, %arg4: memref<8x96x50176xf32, #tpu.memory_space<hbm>>, %arg5: memref<25088xi32, #tpu.memory_space<vmem>>, %arg6: memref<232x224xf32, #tpu.memory_space<vmem>>, %arg7: memref<6272xf32, #tpu.memory_space<vmem>>, %arg8: memref<6272xf32, #tpu.memory_space<vmem>>, %arg9: memref<!tpu.dma_semaphore, #tpu.memory_space<semaphore_mem>>, %arg10: memref<!tpu.dma_semaphore, #tpu.memory_space<semaphore_mem>>) attributes {dimension_semantics = [#tpu.dimension_semantics<core_parallel>, #tpu.dimension_semantics<subcore_parallel>], iteration_bounds = array<i64: 2, 16>, scalar_prefetch = 0 : i64, scratch_operands = 6 : i64, tpu.core_type = #tpu.core_type<sc_vector_subcore>, window_params = [{transform_indices = #map}, {transform_indices = #map1}, {transform_indices = #map2}]} {
    %mul3A = arith.constant 2 : i32
    %mul3A_0 = arith.muli %arg1, %mul3A : i32
    %add3A = arith.addi %mul3A_0, %arg0 : i32
    "tpu.region"() ({
      %run_scoped3A = tpu.sem_alloc : memref<!tpu.dma_semaphore, #tpu.memory_space<semaphore_mem>>
      tpu.enqueue_dma source(%arg3 : memref<25088xi32, #tpu.memory_space<hbm>>) target(%arg5 : memref<25088xi32, #tpu.memory_space<vmem>>) target_semaphore(%run_scoped3A : memref<!tpu.dma_semaphore, #tpu.memory_space<semaphore_mem>>)
      tpu.wait_dma2 semaphore(%run_scoped3A : memref<!tpu.dma_semaphore, #tpu.memory_space<semaphore_mem>>) src(%arg3 : memref<25088xi32, #tpu.memory_space<hbm>>) dst(%arg5 : memref<25088xi32, #tpu.memory_space<vmem>>)
      tpu.yield
    }) : () -> ()
    %broadcast_in_dim3A = arith.constant 0.000000e+00 : f32
    %broadcast_in_dim3A_1 = vector.broadcast %broadcast_in_dim3A : f32 to vector<16xf32>
    %swap3A = arith.constant 224 : i32
    %swap3A_2 = arith.index_cast %swap3A : i32 to index
    %swap3A_3 = arith.constant 0 : index
    %swap3A_4 = tpu.vector_load %arg6[%swap3A_2, %swap3A_3] {strides = array<i32>} : memref<232x224xf32, #tpu.memory_space<vmem>>, vector<16xf32>,
    tpu.vector_store %arg6[%swap3A_2, %swap3A_3], %broadcast_in_dim3A_1 {strides = array<i32>} : memref<232x224xf32, #tpu.memory_space<vmem>>, vector<16xf32>,
    %dma_start3A = arith.constant 0 : i32
    %dma_start3A_5 = arith.constant 0 : i32
    %dma_start3A_6 = arith.constant 0 : i32
    %dma_start3A_7 = tpu.memref_slice %arg4[%dma_start3A, %dma_start3A_5, %dma_start3A_6] : memref<8x96x50176xf32, #tpu.memory_space<hbm>> -> memref<1x1x6272xf32, #tpu.memory_space<hbm>>
    %dma_start3A_8 = tpu.memref_squeeze %dma_start3A_7 : memref<1x1x6272xf32, #tpu.memory_space<hbm>> -> memref<6272xf32, #tpu.memory_space<hbm>>
    %dma_start3A_9 = arith.constant 0 : i32
    %dma_start3A_10 = tpu.memref_slice %arg4[%dma_start3A, %dma_start3A_5, %dma_start3A_9] : memref<8x96x50176xf32, #tpu.memory_space<hbm>> -> memref<1x1x6272xf32, #tpu.memory_space<hbm>>
    %dma_start3A_11 = tpu.memref_squeeze %dma_start3A_10 : memref<1x1x6272xf32, #tpu.memory_space<hbm>> -> memref<6272xf32, #tpu.memory_space<hbm>>
    tpu.enqueue_dma source(%dma_start3A_11 : memref<6272xf32, #tpu.memory_space<hbm>>) target(%arg7 : memref<6272xf32, #tpu.memory_space<vmem>>) target_semaphore(%arg9 : memref<!tpu.dma_semaphore, #tpu.memory_space<semaphore_mem>>)
    %dma_start3A_12 = arith.constant 0 : i32
    %dma_start3A_13 = arith.constant 0 : i32
    %dma_start3A_14 = arith.constant 6272 : i32
    %dma_start3A_15 = tpu.memref_slice %arg4[%dma_start3A_12, %dma_start3A_13, %dma_start3A_14] : memref<8x96x50176xf32, #tpu.memory_space<hbm>> -> memref<1x1x6272xf32, #tpu.memory_space<hbm>>
    %dma_start3A_16 = tpu.memref_squeeze %dma_start3A_15 : memref<1x1x6272xf32, #tpu.memory_space<hbm>> -> memref<6272xf32, #tpu.memory_space<hbm>>
    %dma_start3A_17 = arith.constant 6272 : i32
    %dma_start3A_18 = tpu.memref_slice %arg4[%dma_start3A_12, %dma_start3A_13, %dma_start3A_17] : memref<8x96x50176xf32, #tpu.memory_space<hbm>> -> memref<1x1x6272xf32, #tpu.memory_space<hbm>>
    %dma_start3A_19 = tpu.memref_squeeze %dma_start3A_18 : memref<1x1x6272xf32, #tpu.memory_space<hbm>> -> memref<6272xf32, #tpu.memory_space<hbm>>
    tpu.enqueue_dma source(%dma_start3A_19 : memref<6272xf32, #tpu.memory_space<hbm>>) target(%arg8 : memref<6272xf32, #tpu.memory_space<vmem>>) target_semaphore(%arg10 : memref<!tpu.dma_semaphore, #tpu.memory_space<semaphore_mem>>)
    %scan3A = arith.constant 0 : i32
    %scan3A_20 = arith.constant 0 : i32
    %scan3A_21 = arith.constant 24 : i32
    %scan3A_22 = arith.addi %scan3A_20, %scan3A_21 : i32
    %scan3A_23 = arith.constant 1 : i32
    %scan3A_24 = scf.for %scan3A_41 = %scan3A_20 to %scan3A_22 step %scan3A_23 iter_args(%scan3A_42 = %scan3A) -> (i32)  : i32 {
      %mul3A_43 = arith.constant 24 : i32
      %mul3A_44 = arith.muli %add3A, %mul3A_43 : i32
      %add3A_45 = arith.addi %mul3A_44, %scan3A_41 : i32
      %jit3A = arith.constant 96 : i32
      %div3A = arith.divsi %add3A_45, %jit3A : i32
      %sign3A = arith.constant 0 : i32
      %sign3A_46 = arith.cmpi sgt, %add3A_45, %sign3A : i32
      %sign3A_47 = arith.extui %sign3A_46 : i1 to i32
      %sign3A_48 = arith.constant 0 : i32
      %sign3A_49 = arith.cmpi slt, %add3A_45, %sign3A_48 : i32
      %sign3A_50 = arith.extui %sign3A_49 : i1 to i32
      %sign3A_51 = arith.subi %sign3A_47, %sign3A_50 : i32
      %sign3A_52 = arith.constant 0 : i32
      %sign3A_53 = arith.cmpi sgt, %jit3A, %sign3A_52 : i32
      %sign3A_54 = arith.extui %sign3A_53 : i1 to i32
      %sign3A_55 = arith.constant 0 : i32
      %sign3A_56 = arith.cmpi slt, %jit3A, %sign3A_55 : i32
      %sign3A_57 = arith.extui %sign3A_56 : i1 to i32
      %sign3A_58 = arith.subi %sign3A_54, %sign3A_57 : i32
      %ne3A = arith.cmpi ne, %sign3A_51, %sign3A_58 : i32
      %rem3A = arith.remsi %add3A_45, %jit3A : i32
      %ne3A_59 = arith.constant 0 : i32
      %ne3A_60 = arith.cmpi ne, %rem3A, %ne3A_59 : i32
      %and3A = arith.andi %ne3A, %ne3A_60 : i1
      %sub3A = arith.constant 1 : i32
      %sub3A_61 = arith.subi %div3A, %sub3A : i32
      %select_n3A = arith.select %and3A, %sub3A_61, %div3A : i32
      %mul3A_62 = arith.constant 96 : i32
      %mul3A_63 = arith.muli %select_n3A, %mul3A_62 : i32
      %sub3A_64 = arith.subi %add3A_45, %mul3A_63 : i32
      "tpu.region"() ({
        %run_scoped3A = tpu.sem_alloc : memref<!tpu.dma_semaphore, #tpu.memory_space<semaphore_mem>>
        %dma_start3A_201 = arith.constant 0 : i32
        %dma_start3A_202 = arith.constant 0 : i32
        %dma_start3A_203 = tpu.memref_slice %arg6[%dma_start3A_201, %dma_start3A_202] : memref<232x224xf32, #tpu.memory_space<vmem>> -> memref<224x224xf32, #tpu.memory_space<vmem>>
        %dma_start3A_204 = arith.constant 0 : i32
        %dma_start3A_205 = arith.constant 0 : i32
        %dma_start3A_206 = tpu.memref_slice %arg2[%select_n3A, %sub3A_64, %dma_start3A_204, %dma_start3A_205] : memref<8x96x224x224xf32, #tpu.memory_space<hbm>> -> memref<1x1x224x224xf32, #tpu.memory_space<hbm>>
        %dma_start3A_207 = tpu.memref_squeeze %dma_start3A_206 : memref<1x1x224x224xf32, #tpu.memory_space<hbm>> -> memref<224x224xf32, #tpu.memory_space<hbm>>
        %dma_start3A_208 = arith.constant 0 : i32
        %dma_start3A_209 = arith.constant 0 : i32
        %dma_start3A_210 = tpu.memref_slice %arg6[%dma_start3A_208, %dma_start3A_209] : memref<232x224xf32, #tpu.memory_space<vmem>> -> memref<224x224xf32, #tpu.memory_space<vmem>>
        %dma_start3A_211 = arith.constant 0 : i32
        %dma_start3A_212 = arith.constant 0 : i32
        %dma_start3A_213 = tpu.memref_slice %arg2[%select_n3A, %sub3A_64, %dma_start3A_211, %dma_start3A_212] : memref<8x96x224x224xf32, #tpu.memory_space<hbm>> -> memref<1x1x224x224xf32, #tpu.memory_space<hbm>>
        %dma_start3A_214 = tpu.memref_squeeze %dma_start3A_213 : memref<1x1x224x224xf32, #tpu.memory_space<hbm>> -> memref<224x224xf32, #tpu.memory_space<hbm>>
        tpu.enqueue_dma source(%dma_start3A_214 : memref<224x224xf32, #tpu.memory_space<hbm>>) target(%dma_start3A_210 : memref<224x224xf32, #tpu.memory_space<vmem>>) target_semaphore(%run_scoped3A : memref<!tpu.dma_semaphore, #tpu.memory_space<semaphore_mem>>)
        %dma_wait3A_215 = arith.constant 0 : i32
        %dma_wait3A_216 = arith.constant 0 : i32
        %dma_wait3A_217 = tpu.memref_slice %arg6[%dma_wait3A_215, %dma_wait3A_216] : memref<232x224xf32, #tpu.memory_space<vmem>> -> memref<224x224xf32, #tpu.memory_space<vmem>>
        %dma_wait3A_218 = arith.constant 0 : i32
        %dma_wait3A_219 = arith.constant 0 : i32
        %dma_wait3A_220 = tpu.memref_slice %arg2[%select_n3A, %sub3A_64, %dma_wait3A_218, %dma_wait3A_219] : memref<8x96x224x224xf32, #tpu.memory_space<hbm>> -> memref<1x1x224x224xf32, #tpu.memory_space<hbm>>
        %dma_wait3A_221 = tpu.memref_squeeze %dma_wait3A_220 : memref<1x1x224x224xf32, #tpu.memory_space<hbm>> -> memref<224x224xf32, #tpu.memory_space<hbm>>
        %dma_wait3A_222 = arith.constant 0 : i32
        %dma_wait3A_223 = arith.constant 0 : i32
        %dma_wait3A_224 = tpu.memref_slice %arg6[%dma_wait3A_222, %dma_wait3A_223] : memref<232x224xf32, #tpu.memory_space<vmem>> -> memref<224x224xf32, #tpu.memory_space<vmem>>
        %dma_wait3A_225 = arith.constant 0 : i32
        %dma_wait3A_226 = arith.constant 0 : i32
        %dma_wait3A_227 = tpu.memref_slice %arg2[%select_n3A, %sub3A_64, %dma_wait3A_225, %dma_wait3A_226] : memref<8x96x224x224xf32, #tpu.memory_space<hbm>> -> memref<1x1x224x224xf32, #tpu.memory_space<hbm>>
        %dma_wait3A_228 = tpu.memref_squeeze %dma_wait3A_227 : memref<1x1x224x224xf32, #tpu.memory_space<hbm>> -> memref<224x224xf32, #tpu.memory_space<hbm>>
        tpu.wait_dma2 semaphore(%run_scoped3A : memref<!tpu.dma_semaphore, #tpu.memory_space<semaphore_mem>>) src(%dma_wait3A_228 : memref<224x224xf32, #tpu.memory_space<hbm>>) dst(%dma_wait3A_224 : memref<224x224xf32, #tpu.memory_space<vmem>>)
        tpu.yield
      }) : () -> ()
      %dma_wait3A_65 = arith.constant 0 : i32
      %dma_wait3A_66 = arith.constant 0 : i32
      %dma_wait3A_67 = arith.constant 0 : i32
      %dma_wait3A_68 = tpu.memref_slice %arg4[%dma_wait3A_65, %dma_wait3A_66, %dma_wait3A_67] : memref<8x96x50176xf32, #tpu.memory_space<hbm>> -> memref<1x1x6272xf32, #tpu.memory_space<hbm>>
      %dma_wait3A_69 = tpu.memref_squeeze %dma_wait3A_68 : memref<1x1x6272xf32, #tpu.memory_space<hbm>> -> memref<6272xf32, #tpu.memory_space<hbm>>
      %dma_wait3A_70 = arith.constant 0 : i32
      %dma_wait3A_71 = tpu.memref_slice %arg4[%dma_wait3A_65, %dma_wait3A_66, %dma_wait3A_70] : memref<8x96x50176xf32, #tpu.memory_space<hbm>> -> memref<1x1x6272xf32, #tpu.memory_space<hbm>>
      %dma_wait3A_72 = tpu.memref_squeeze %dma_wait3A_71 : memref<1x1x6272xf32, #tpu.memory_space<hbm>> -> memref<6272xf32, #tpu.memory_space<hbm>>
      tpu.wait_dma2 semaphore(%arg9 : memref<!tpu.dma_semaphore, #tpu.memory_space<semaphore_mem>>) src(%arg7 : memref<6272xf32, #tpu.memory_space<vmem>>) dst(%dma_wait3A_72 : memref<6272xf32, #tpu.memory_space<hbm>>)
      %parallel_loop3A = arith.constant 0 : i32
      %parallel_loop3A_73 = arith.constant 6272 : i32
      %parallel_loop3A_74 = arith.constant 32 : i32
      scf.for %parallel_loop3A_201 = %parallel_loop3A to %parallel_loop3A_73 step %parallel_loop3A_74  : i32 {
        %parallel_loop3A_202 = arith.constant 0 : i32
        %parallel_loop3A_203 = arith.addi %parallel_loop3A_202, %parallel_loop3A_201 : i32
        %parallel_loop3A_204 = arith.constant 2 : i32
        %parallel_loop3A_205 = arith.divsi %parallel_loop3A_203, %parallel_loop3A_204 : i32
        %parallel_loop3A_206 = arith.constant 0 : i32
        %parallel_loop3A_207 = arith.cmpi sgt, %parallel_loop3A_203, %parallel_loop3A_206 : i32
        %parallel_loop3A_208 = arith.extui %parallel_loop3A_207 : i1 to i32
        %parallel_loop3A_209 = arith.constant 0 : i32
        %parallel_loop3A_210 = arith.cmpi slt, %parallel_loop3A_203, %parallel_loop3A_209 : i32
        %parallel_loop3A_211 = arith.extui %parallel_loop3A_210 : i1 to i32
        %parallel_loop3A_212 = arith.subi %parallel_loop3A_208, %parallel_loop3A_211 : i32
        %parallel_loop3A_213 = arith.constant 0 : i32
        %parallel_loop3A_214 = arith.cmpi sgt, %parallel_loop3A_204, %parallel_loop3A_213 : i32
        %parallel_loop3A_215 = arith.extui %parallel_loop3A_214 : i1 to i32
        %parallel_loop3A_216 = arith.constant 0 : i32
        %parallel_loop3A_217 = arith.cmpi slt, %parallel_loop3A_204, %parallel_loop3A_216 : i32
        %parallel_loop3A_218 = arith.extui %parallel_loop3A_217 : i1 to i32
        %parallel_loop3A_219 = arith.subi %parallel_loop3A_215, %parallel_loop3A_218 : i32
        %parallel_loop3A_220 = arith.cmpi ne, %parallel_loop3A_212, %parallel_loop3A_219 : i32
        %parallel_loop3A_221 = arith.remsi %parallel_loop3A_203, %parallel_loop3A_204 : i32
        %parallel_loop3A_222 = arith.constant 0 : i32
        %parallel_loop3A_223 = arith.cmpi ne, %parallel_loop3A_221, %parallel_loop3A_222 : i32
        %parallel_loop3A_224 = arith.andi %parallel_loop3A_220, %parallel_loop3A_223 : i1
        %parallel_loop3A_225 = arith.constant 1 : i32
        %parallel_loop3A_226 = arith.subi %parallel_loop3A_205, %parallel_loop3A_225 : i32
        %parallel_loop3A_227 = arith.select %parallel_loop3A_224, %parallel_loop3A_226, %parallel_loop3A_205 : i32
        %parallel_loop3A_228 = arith.index_cast %parallel_loop3A_227 : i32 to index
        %parallel_loop3A_229 = tpu.vector_load %arg5[%parallel_loop3A_228] {strides = array<i32>} : memref<25088xi32, #tpu.memory_space<vmem>>, vector<16xi32>,
        %parallel_loop3A_230 = arith.constant 65535 : i32
        %parallel_loop3A_231 = vector.broadcast %parallel_loop3A_230 : i32 to vector<16xi32>
        %parallel_loop3A_232 = arith.andi %parallel_loop3A_229, %parallel_loop3A_231 : vector<16xi32>
        %parallel_loop3A_233 = arith.constant 16 : i32
        %parallel_loop3A_234 = vector.broadcast %parallel_loop3A_233 : i32 to vector<16xi32>
        %parallel_loop3A_235 = arith.shrui %parallel_loop3A_229, %parallel_loop3A_234 : vector<16xi32>
        %parallel_loop3A_236 = arith.constant 8 : i32
        %parallel_loop3A_237 = vector.broadcast %parallel_loop3A_236 : i32 to vector<16xi32>
        %parallel_loop3A_238 = arith.shrui %parallel_loop3A_232, %parallel_loop3A_237 : vector<16xi32>
        %parallel_loop3A_239 = arith.constant 255 : i32
        %parallel_loop3A_240 = vector.broadcast %parallel_loop3A_239 : i32 to vector<16xi32>
        %parallel_loop3A_241 = arith.andi %parallel_loop3A_232, %parallel_loop3A_240 : vector<16xi32>
        %parallel_loop3A_242 = tpu.vector_load_idx %arg6[%parallel_loop3A_238, %parallel_loop3A_241] : memref<232x224xf32, #tpu.memory_space<vmem>>[vector<16xi32>, vector<16xi32>], vector<16xf32>,
        %parallel_loop3A_243 = arith.constant 0 : i32
        %parallel_loop3A_244 = arith.addi %parallel_loop3A_201, %parallel_loop3A_243 : i32
        %parallel_loop3A_245 = arith.index_cast %parallel_loop3A_244 : i32 to index
        %parallel_loop3A_246 = tpu.vector_load %arg7[%parallel_loop3A_245] {strides = array<i32>} : memref<6272xf32, #tpu.memory_space<vmem>>, vector<16xf32>,
        tpu.vector_store %arg7[%parallel_loop3A_245], %parallel_loop3A_242 {strides = array<i32>} : memref<6272xf32, #tpu.memory_space<vmem>>, vector<16xf32>,
        %parallel_loop3A_247 = arith.constant 8 : i32
        %parallel_loop3A_248 = vector.broadcast %parallel_loop3A_247 : i32 to vector<16xi32>
        %parallel_loop3A_249 = arith.shrui %parallel_loop3A_235, %parallel_loop3A_248 : vector<16xi32>
        %parallel_loop3A_250 = arith.constant 255 : i32
        %parallel_loop3A_251 = vector.broadcast %parallel_loop3A_250 : i32 to vector<16xi32>
        %parallel_loop3A_252 = arith.andi %parallel_loop3A_235, %parallel_loop3A_251 : vector<16xi32>
        %parallel_loop3A_253 = tpu.vector_load_idx %arg6[%parallel_loop3A_249, %parallel_loop3A_252] : memref<232x224xf32, #tpu.memory_space<vmem>>[vector<16xi32>, vector<16xi32>], vector<16xf32>,
        %parallel_loop3A_254 = arith.constant 16 : i32
        %parallel_loop3A_255 = arith.addi %parallel_loop3A_201, %parallel_loop3A_254 : i32
        %parallel_loop3A_256 = arith.index_cast %parallel_loop3A_255 : i32 to index
        %parallel_loop3A_257 = tpu.vector_load %arg7[%parallel_loop3A_256] {strides = array<i32>} : memref<6272xf32, #tpu.memory_space<vmem>>, vector<16xf32>,
        tpu.vector_store %arg7[%parallel_loop3A_256], %parallel_loop3A_253 {strides = array<i32>} : memref<6272xf32, #tpu.memory_space<vmem>>, vector<16xf32>,
      } {sc.loop_unroll_factor = 4 : i64, sc.parallel_access}
      %dma_start3A_75 = arith.constant 0 : i32
      %dma_start3A_76 = tpu.memref_slice %arg4[%select_n3A, %sub3A_64, %dma_start3A_75] : memref<8x96x50176xf32, #tpu.memory_space<hbm>> -> memref<1x1x6272xf32, #tpu.memory_space<hbm>>
      %dma_start3A_77 = tpu.memref_squeeze %dma_start3A_76 : memref<1x1x6272xf32, #tpu.memory_space<hbm>> -> memref<6272xf32, #tpu.memory_space<hbm>>
      %dma_start3A_78 = arith.constant 0 : i32
      %dma_start3A_79 = tpu.memref_slice %arg4[%select_n3A, %sub3A_64, %dma_start3A_78] : memref<8x96x50176xf32, #tpu.memory_space<hbm>> -> memref<1x1x6272xf32, #tpu.memory_space<hbm>>
      %dma_start3A_80 = tpu.memref_squeeze %dma_start3A_79 : memref<1x1x6272xf32, #tpu.memory_space<hbm>> -> memref<6272xf32, #tpu.memory_space<hbm>>
      tpu.enqueue_dma source(%arg7 : memref<6272xf32, #tpu.memory_space<vmem>>) target(%dma_start3A_80 : memref<6272xf32, #tpu.memory_space<hbm>>) target_semaphore(%arg9 : memref<!tpu.dma_semaphore, #tpu.memory_space<semaphore_mem>>)
      %dma_wait3A_81 = arith.constant 0 : i32
      %dma_wait3A_82 = arith.constant 0 : i32
      %dma_wait3A_83 = arith.constant 6272 : i32
      %dma_wait3A_84 = tpu.memref_slice %arg4[%dma_wait3A_81, %dma_wait3A_82, %dma_wait3A_83] : memref<8x96x50176xf32, #tpu.memory_space<hbm>> -> memref<1x1x6272xf32, #tpu.memory_space<hbm>>
      %dma_wait3A_85 = tpu.memref_squeeze %dma_wait3A_84 : memref<1x1x6272xf32, #tpu.memory_space<hbm>> -> memref<6272xf32, #tpu.memory_space<hbm>>
      %dma_wait3A_86 = arith.constant 6272 : i32
      %dma_wait3A_87 = tpu.memref_slice %arg4[%dma_wait3A_81, %dma_wait3A_82, %dma_wait3A_86] : memref<8x96x50176xf32, #tpu.memory_space<hbm>> -> memref<1x1x6272xf32, #tpu.memory_space<hbm>>
      %dma_wait3A_88 = tpu.memref_squeeze %dma_wait3A_87 : memref<1x1x6272xf32, #tpu.memory_space<hbm>> -> memref<6272xf32, #tpu.memory_space<hbm>>
      tpu.wait_dma2 semaphore(%arg10 : memref<!tpu.dma_semaphore, #tpu.memory_space<semaphore_mem>>) src(%arg8 : memref<6272xf32, #tpu.memory_space<vmem>>) dst(%dma_wait3A_88 : memref<6272xf32, #tpu.memory_space<hbm>>)
      %parallel_loop3A_89 = arith.constant 0 : i32
      %parallel_loop3A_90 = arith.constant 6272 : i32
      %parallel_loop3A_91 = arith.constant 32 : i32
      scf.for %parallel_loop3A_201 = %parallel_loop3A_89 to %parallel_loop3A_90 step %parallel_loop3A_91  : i32 {
        %parallel_loop3A_202 = arith.constant 6272 : i32
        %parallel_loop3A_203 = arith.addi %parallel_loop3A_202, %parallel_loop3A_201 : i32
        %parallel_loop3A_204 = arith.constant 2 : i32
        %parallel_loop3A_205 = arith.divsi %parallel_loop3A_203, %parallel_loop3A_204 : i32
        %parallel_loop3A_206 = arith.constant 0 : i32
        %parallel_loop3A_207 = arith.cmpi sgt, %parallel_loop3A_203, %parallel_loop3A_206 : i32
        %parallel_loop3A_208 = arith.extui %parallel_loop3A_207 : i1 to i32
        %parallel_loop3A_209 = arith.constant 0 : i32
        %parallel_loop3A_210 = arith.cmpi slt, %parallel_loop3A_203, %parallel_loop3A_209 : i32
        %parallel_loop3A_211 = arith.extui %parallel_loop3A_210 : i1 to i32
        %parallel_loop3A_212 = arith.subi %parallel_loop3A_208, %parallel_loop3A_211 : i32
        %parallel_loop3A_213 = arith.constant 0 : i32
        %parallel_loop3A_214 = arith.cmpi sgt, %parallel_loop3A_204, %parallel_loop3A_213 : i32
        %parallel_loop3A_215 = arith.extui %parallel_loop3A_214 : i1 to i32
        %parallel_loop3A_216 = arith.constant 0 : i32
        %parallel_loop3A_217 = arith.cmpi slt, %parallel_loop3A_204, %parallel_loop3A_216 : i32
        %parallel_loop3A_218 = arith.extui %parallel_loop3A_217 : i1 to i32
        %parallel_loop3A_219 = arith.subi %parallel_loop3A_215, %parallel_loop3A_218 : i32
        %parallel_loop3A_220 = arith.cmpi ne, %parallel_loop3A_212, %parallel_loop3A_219 : i32
        %parallel_loop3A_221 = arith.remsi %parallel_loop3A_203, %parallel_loop3A_204 : i32
        %parallel_loop3A_222 = arith.constant 0 : i32
        %parallel_loop3A_223 = arith.cmpi ne, %parallel_loop3A_221, %parallel_loop3A_222 : i32
        %parallel_loop3A_224 = arith.andi %parallel_loop3A_220, %parallel_loop3A_223 : i1
        %parallel_loop3A_225 = arith.constant 1 : i32
        %parallel_loop3A_226 = arith.subi %parallel_loop3A_205, %parallel_loop3A_225 : i32
        %parallel_loop3A_227 = arith.select %parallel_loop3A_224, %parallel_loop3A_226, %parallel_loop3A_205 : i32
        %parallel_loop3A_228 = arith.index_cast %parallel_loop3A_227 : i32 to index
        %parallel_loop3A_229 = tpu.vector_load %arg5[%parallel_loop3A_228] {strides = array<i32>} : memref<25088xi32, #tpu.memory_space<vmem>>, vector<16xi32>,
        %parallel_loop3A_230 = arith.constant 65535 : i32
        %parallel_loop3A_231 = vector.broadcast %parallel_loop3A_230 : i32 to vector<16xi32>
        %parallel_loop3A_232 = arith.andi %parallel_loop3A_229, %parallel_loop3A_231 : vector<16xi32>
        %parallel_loop3A_233 = arith.constant 16 : i32
        %parallel_loop3A_234 = vector.broadcast %parallel_loop3A_233 : i32 to vector<16xi32>
        %parallel_loop3A_235 = arith.shrui %parallel_loop3A_229, %parallel_loop3A_234 : vector<16xi32>
        %parallel_loop3A_236 = arith.constant 8 : i32
        %parallel_loop3A_237 = vector.broadcast %parallel_loop3A_236 : i32 to vector<16xi32>
        %parallel_loop3A_238 = arith.shrui %parallel_loop3A_232, %parallel_loop3A_237 : vector<16xi32>
        %parallel_loop3A_239 = arith.constant 255 : i32
        %parallel_loop3A_240 = vector.broadcast %parallel_loop3A_239 : i32 to vector<16xi32>
        %parallel_loop3A_241 = arith.andi %parallel_loop3A_232, %parallel_loop3A_240 : vector<16xi32>
        %parallel_loop3A_242 = tpu.vector_load_idx %arg6[%parallel_loop3A_238, %parallel_loop3A_241] : memref<232x224xf32, #tpu.memory_space<vmem>>[vector<16xi32>, vector<16xi32>], vector<16xf32>,
        %parallel_loop3A_243 = arith.constant 0 : i32
        %parallel_loop3A_244 = arith.addi %parallel_loop3A_201, %parallel_loop3A_243 : i32
        %parallel_loop3A_245 = arith.index_cast %parallel_loop3A_244 : i32 to index
        %parallel_loop3A_246 = tpu.vector_load %arg8[%parallel_loop3A_245] {strides = array<i32>} : memref<6272xf32, #tpu.memory_space<vmem>>, vector<16xf32>,
        tpu.vector_store %arg8[%parallel_loop3A_245], %parallel_loop3A_242 {strides = array<i32>} : memref<6272xf32, #tpu.memory_space<vmem>>, vector<16xf32>,
        %parallel_loop3A_247 = arith.constant 8 : i32
        %parallel_loop3A_248 = vector.broadcast %parallel_loop3A_247 : i32 to vector<16xi32>
        %parallel_loop3A_249 = arith.shrui %parallel_loop3A_235, %parallel_loop3A_248 : vector<16xi32>
        %parallel_loop3A_250 = arith.constant 255 : i32
        %parallel_loop3A_251 = vector.broadcast %parallel_loop3A_250 : i32 to vector<16xi32>
        %parallel_loop3A_252 = arith.andi %parallel_loop3A_235, %parallel_loop3A_251 : vector<16xi32>
        %parallel_loop3A_253 = tpu.vector_load_idx %arg6[%parallel_loop3A_249, %parallel_loop3A_252] : memref<232x224xf32, #tpu.memory_space<vmem>>[vector<16xi32>, vector<16xi32>], vector<16xf32>,
        %parallel_loop3A_254 = arith.constant 16 : i32
        %parallel_loop3A_255 = arith.addi %parallel_loop3A_201, %parallel_loop3A_254 : i32
        %parallel_loop3A_256 = arith.index_cast %parallel_loop3A_255 : i32 to index
        %parallel_loop3A_257 = tpu.vector_load %arg8[%parallel_loop3A_256] {strides = array<i32>} : memref<6272xf32, #tpu.memory_space<vmem>>, vector<16xf32>,
        tpu.vector_store %arg8[%parallel_loop3A_256], %parallel_loop3A_253 {strides = array<i32>} : memref<6272xf32, #tpu.memory_space<vmem>>, vector<16xf32>,
      } {sc.loop_unroll_factor = 4 : i64, sc.parallel_access}
      %dma_start3A_92 = arith.constant 6272 : i32
      %dma_start3A_93 = tpu.memref_slice %arg4[%select_n3A, %sub3A_64, %dma_start3A_92] : memref<8x96x50176xf32, #tpu.memory_space<hbm>> -> memref<1x1x6272xf32, #tpu.memory_space<hbm>>
      %dma_start3A_94 = tpu.memref_squeeze %dma_start3A_93 : memref<1x1x6272xf32, #tpu.memory_space<hbm>> -> memref<6272xf32, #tpu.memory_space<hbm>>
      %dma_start3A_95 = arith.constant 6272 : i32
      %dma_start3A_96 = tpu.memref_slice %arg4[%select_n3A, %sub3A_64, %dma_start3A_95] : memref<8x96x50176xf32, #tpu.memory_space<hbm>> -> memref<1x1x6272xf32, #tpu.memory_space<hbm>>
      %dma_start3A_97 = tpu.memref_squeeze %dma_start3A_96 : memref<1x1x6272xf32, #tpu.memory_space<hbm>> -> memref<6272xf32, #tpu.memory_space<hbm>>
      tpu.enqueue_dma source(%arg8 : memref<6272xf32, #tpu.memory_space<vmem>>) target(%dma_start3A_97 : memref<6272xf32, #tpu.memory_space<hbm>>) target_semaphore(%arg10 : memref<!tpu.dma_semaphore, #tpu.memory_space<semaphore_mem>>)
      %dma_wait3A_98 = arith.constant 0 : i32
      %dma_wait3A_99 = arith.constant 0 : i32
      %dma_wait3A_100 = arith.constant 12544 : i32
      %dma_wait3A_101 = tpu.memref_slice %arg4[%dma_wait3A_98, %dma_wait3A_99, %dma_wait3A_100] : memref<8x96x50176xf32, #tpu.memory_space<hbm>> -> memref<1x1x6272xf32, #tpu.memory_space<hbm>>
      %dma_wait3A_102 = tpu.memref_squeeze %dma_wait3A_101 : memref<1x1x6272xf32, #tpu.memory_space<hbm>> -> memref<6272xf32, #tpu.memory_space<hbm>>
      %dma_wait3A_103 = arith.constant 12544 : i32
      %dma_wait3A_104 = tpu.memref_slice %arg4[%dma_wait3A_98, %dma_wait3A_99, %dma_wait3A_103] : memref<8x96x50176xf32, #tpu.memory_space<hbm>> -> memref<1x1x6272xf32, #tpu.memory_space<hbm>>
      %dma_wait3A_105 = tpu.memref_squeeze %dma_wait3A_104 : memref<1x1x6272xf32, #tpu.memory_space<hbm>> -> memref<6272xf32, #tpu.memory_space<hbm>>
      tpu.wait_dma2 semaphore(%arg9 : memref<!tpu.dma_semaphore, #tpu.memory_space<semaphore_mem>>) src(%arg7 : memref<6272xf32, #tpu.memory_space<vmem>>) dst(%dma_wait3A_105 : memref<6272xf32, #tpu.memory_space<hbm>>)
      %parallel_loop3A_106 = arith.constant 0 : i32
      %parallel_loop3A_107 = arith.constant 6272 : i32
      %parallel_loop3A_108 = arith.constant 32 : i32
      scf.for %parallel_loop3A_201 = %parallel_loop3A_106 to %parallel_loop3A_107 step %parallel_loop3A_108  : i32 {
        %parallel_loop3A_202 = arith.constant 12544 : i32
        %parallel_loop3A_203 = arith.addi %parallel_loop3A_202, %parallel_loop3A_201 : i32
        %parallel_loop3A_204 = arith.constant 2 : i32
        %parallel_loop3A_205 = arith.divsi %parallel_loop3A_203, %parallel_loop3A_204 : i32
        %parallel_loop3A_206 = arith.constant 0 : i32
        %parallel_loop3A_207 = arith.cmpi sgt, %parallel_loop3A_203, %parallel_loop3A_206 : i32
        %parallel_loop3A_208 = arith.extui %parallel_loop3A_207 : i1 to i32
        %parallel_loop3A_209 = arith.constant 0 : i32
        %parallel_loop3A_210 = arith.cmpi slt, %parallel_loop3A_203, %parallel_loop3A_209 : i32
        %parallel_loop3A_211 = arith.extui %parallel_loop3A_210 : i1 to i32
        %parallel_loop3A_212 = arith.subi %parallel_loop3A_208, %parallel_loop3A_211 : i32
        %parallel_loop3A_213 = arith.constant 0 : i32
        %parallel_loop3A_214 = arith.cmpi sgt, %parallel_loop3A_204, %parallel_loop3A_213 : i32
        %parallel_loop3A_215 = arith.extui %parallel_loop3A_214 : i1 to i32
        %parallel_loop3A_216 = arith.constant 0 : i32
        %parallel_loop3A_217 = arith.cmpi slt, %parallel_loop3A_204, %parallel_loop3A_216 : i32
        %parallel_loop3A_218 = arith.extui %parallel_loop3A_217 : i1 to i32
        %parallel_loop3A_219 = arith.subi %parallel_loop3A_215, %parallel_loop3A_218 : i32
        %parallel_loop3A_220 = arith.cmpi ne, %parallel_loop3A_212, %parallel_loop3A_219 : i32
        %parallel_loop3A_221 = arith.remsi %parallel_loop3A_203, %parallel_loop3A_204 : i32
        %parallel_loop3A_222 = arith.constant 0 : i32
        %parallel_loop3A_223 = arith.cmpi ne, %parallel_loop3A_221, %parallel_loop3A_222 : i32
        %parallel_loop3A_224 = arith.andi %parallel_loop3A_220, %parallel_loop3A_223 : i1
        %parallel_loop3A_225 = arith.constant 1 : i32
        %parallel_loop3A_226 = arith.subi %parallel_loop3A_205, %parallel_loop3A_225 : i32
        %parallel_loop3A_227 = arith.select %parallel_loop3A_224, %parallel_loop3A_226, %parallel_loop3A_205 : i32
        %parallel_loop3A_228 = arith.index_cast %parallel_loop3A_227 : i32 to index
        %parallel_loop3A_229 = tpu.vector_load %arg5[%parallel_loop3A_228] {strides = array<i32>} : memref<25088xi32, #tpu.memory_space<vmem>>, vector<16xi32>,
        %parallel_loop3A_230 = arith.constant 65535 : i32
        %parallel_loop3A_231 = vector.broadcast %parallel_loop3A_230 : i32 to vector<16xi32>
        %parallel_loop3A_232 = arith.andi %parallel_loop3A_229, %parallel_loop3A_231 : vector<16xi32>
        %parallel_loop3A_233 = arith.constant 16 : i32
        %parallel_loop3A_234 = vector.broadcast %parallel_loop3A_233 : i32 to vector<16xi32>
        %parallel_loop3A_235 = arith.shrui %parallel_loop3A_229, %parallel_loop3A_234 : vector<16xi32>
        %parallel_loop3A_236 = arith.constant 8 : i32
        %parallel_loop3A_237 = vector.broadcast %parallel_loop3A_236 : i32 to vector<16xi32>
        %parallel_loop3A_238 = arith.shrui %parallel_loop3A_232, %parallel_loop3A_237 : vector<16xi32>
        %parallel_loop3A_239 = arith.constant 255 : i32
        %parallel_loop3A_240 = vector.broadcast %parallel_loop3A_239 : i32 to vector<16xi32>
        %parallel_loop3A_241 = arith.andi %parallel_loop3A_232, %parallel_loop3A_240 : vector<16xi32>
        %parallel_loop3A_242 = tpu.vector_load_idx %arg6[%parallel_loop3A_238, %parallel_loop3A_241] : memref<232x224xf32, #tpu.memory_space<vmem>>[vector<16xi32>, vector<16xi32>], vector<16xf32>,
        %parallel_loop3A_243 = arith.constant 0 : i32
        %parallel_loop3A_244 = arith.addi %parallel_loop3A_201, %parallel_loop3A_243 : i32
        %parallel_loop3A_245 = arith.index_cast %parallel_loop3A_244 : i32 to index
        %parallel_loop3A_246 = tpu.vector_load %arg7[%parallel_loop3A_245] {strides = array<i32>} : memref<6272xf32, #tpu.memory_space<vmem>>, vector<16xf32>,
        tpu.vector_store %arg7[%parallel_loop3A_245], %parallel_loop3A_242 {strides = array<i32>} : memref<6272xf32, #tpu.memory_space<vmem>>, vector<16xf32>,
        %parallel_loop3A_247 = arith.constant 8 : i32
        %parallel_loop3A_248 = vector.broadcast %parallel_loop3A_247 : i32 to vector<16xi32>
        %parallel_loop3A_249 = arith.shrui %parallel_loop3A_235, %parallel_loop3A_248 : vector<16xi32>
        %parallel_loop3A_250 = arith.constant 255 : i32
        %parallel_loop3A_251 = vector.broadcast %parallel_loop3A_250 : i32 to vector<16xi32>
        %parallel_loop3A_252 = arith.andi %parallel_loop3A_235, %parallel_loop3A_251 : vector<16xi32>
        %parallel_loop3A_253 = tpu.vector_load_idx %arg6[%parallel_loop3A_249, %parallel_loop3A_252] : memref<232x224xf32, #tpu.memory_space<vmem>>[vector<16xi32>, vector<16xi32>], vector<16xf32>,
        %parallel_loop3A_254 = arith.constant 16 : i32
        %parallel_loop3A_255 = arith.addi %parallel_loop3A_201, %parallel_loop3A_254 : i32
        %parallel_loop3A_256 = arith.index_cast %parallel_loop3A_255 : i32 to index
        %parallel_loop3A_257 = tpu.vector_load %arg7[%parallel_loop3A_256] {strides = array<i32>} : memref<6272xf32, #tpu.memory_space<vmem>>, vector<16xf32>,
        tpu.vector_store %arg7[%parallel_loop3A_256], %parallel_loop3A_253 {strides = array<i32>} : memref<6272xf32, #tpu.memory_space<vmem>>, vector<16xf32>,
      } {sc.loop_unroll_factor = 4 : i64, sc.parallel_access}
      %dma_start3A_109 = arith.constant 12544 : i32
      %dma_start3A_110 = tpu.memref_slice %arg4[%select_n3A, %sub3A_64, %dma_start3A_109] : memref<8x96x50176xf32, #tpu.memory_space<hbm>> -> memref<1x1x6272xf32, #tpu.memory_space<hbm>>
      %dma_start3A_111 = tpu.memref_squeeze %dma_start3A_110 : memref<1x1x6272xf32, #tpu.memory_space<hbm>> -> memref<6272xf32, #tpu.memory_space<hbm>>
      %dma_start3A_112 = arith.constant 12544 : i32
      %dma_start3A_113 = tpu.memref_slice %arg4[%select_n3A, %sub3A_64, %dma_start3A_112] : memref<8x96x50176xf32, #tpu.memory_space<hbm>> -> memref<1x1x6272xf32, #tpu.memory_space<hbm>>
      %dma_start3A_114 = tpu.memref_squeeze %dma_start3A_113 : memref<1x1x6272xf32, #tpu.memory_space<hbm>> -> memref<6272xf32, #tpu.memory_space<hbm>>
      tpu.enqueue_dma source(%arg7 : memref<6272xf32, #tpu.memory_space<vmem>>) target(%dma_start3A_114 : memref<6272xf32, #tpu.memory_space<hbm>>) target_semaphore(%arg9 : memref<!tpu.dma_semaphore, #tpu.memory_space<semaphore_mem>>)
      %dma_wait3A_115 = arith.constant 0 : i32
      %dma_wait3A_116 = arith.constant 0 : i32
      %dma_wait3A_117 = arith.constant 18816 : i32
      %dma_wait3A_118 = tpu.memref_slice %arg4[%dma_wait3A_115, %dma_wait3A_116, %dma_wait3A_117] : memref<8x96x50176xf32, #tpu.memory_space<hbm>> -> memref<1x1x6272xf32, #tpu.memory_space<hbm>>
      %dma_wait3A_119 = tpu.memref_squeeze %dma_wait3A_118 : memref<1x1x6272xf32, #tpu.memory_space<hbm>> -> memref<6272xf32, #tpu.memory_space<hbm>>
      %dma_wait3A_120 = arith.constant 18816 : i32
      %dma_wait3A_121 = tpu.memref_slice %arg4[%dma_wait3A_115, %dma_wait3A_116, %dma_wait3A_120] : memref<8x96x50176xf32, #tpu.memory_space<hbm>> -> memref<1x1x6272xf32, #tpu.memory_space<hbm>>
      %dma_wait3A_122 = tpu.memref_squeeze %dma_wait3A_121 : memref<1x1x6272xf32, #tpu.memory_space<hbm>> -> memref<6272xf32, #tpu.memory_space<hbm>>
      tpu.wait_dma2 semaphore(%arg10 : memref<!tpu.dma_semaphore, #tpu.memory_space<semaphore_mem>>) src(%arg8 : memref<6272xf32, #tpu.memory_space<vmem>>) dst(%dma_wait3A_122 : memref<6272xf32, #tpu.memory_space<hbm>>)
      %parallel_loop3A_123 = arith.constant 0 : i32
      %parallel_loop3A_124 = arith.constant 6272 : i32
      %parallel_loop3A_125 = arith.constant 32 : i32
      scf.for %parallel_loop3A_201 = %parallel_loop3A_123 to %parallel_loop3A_124 step %parallel_loop3A_125  : i32 {
        %parallel_loop3A_202 = arith.constant 18816 : i32
        %parallel_loop3A_203 = arith.addi %parallel_loop3A_202, %parallel_loop3A_201 : i32
        %parallel_loop3A_204 = arith.constant 2 : i32
        %parallel_loop3A_205 = arith.divsi %parallel_loop3A_203, %parallel_loop3A_204 : i32
        %parallel_loop3A_206 = arith.constant 0 : i32
        %parallel_loop3A_207 = arith.cmpi sgt, %parallel_loop3A_203, %parallel_loop3A_206 : i32
        %parallel_loop3A_208 = arith.extui %parallel_loop3A_207 : i1 to i32
        %parallel_loop3A_209 = arith.constant 0 : i32
        %parallel_loop3A_210 = arith.cmpi slt, %parallel_loop3A_203, %parallel_loop3A_209 : i32
        %parallel_loop3A_211 = arith.extui %parallel_loop3A_210 : i1 to i32
        %parallel_loop3A_212 = arith.subi %parallel_loop3A_208, %parallel_loop3A_211 : i32
        %parallel_loop3A_213 = arith.constant 0 : i32
        %parallel_loop3A_214 = arith.cmpi sgt, %parallel_loop3A_204, %parallel_loop3A_213 : i32
        %parallel_loop3A_215 = arith.extui %parallel_loop3A_214 : i1 to i32
        %parallel_loop3A_216 = arith.constant 0 : i32
        %parallel_loop3A_217 = arith.cmpi slt, %parallel_loop3A_204, %parallel_loop3A_216 : i32
        %parallel_loop3A_218 = arith.extui %parallel_loop3A_217 : i1 to i32
        %parallel_loop3A_219 = arith.subi %parallel_loop3A_215, %parallel_loop3A_218 : i32
        %parallel_loop3A_220 = arith.cmpi ne, %parallel_loop3A_212, %parallel_loop3A_219 : i32
        %parallel_loop3A_221 = arith.remsi %parallel_loop3A_203, %parallel_loop3A_204 : i32
        %parallel_loop3A_222 = arith.constant 0 : i32
        %parallel_loop3A_223 = arith.cmpi ne, %parallel_loop3A_221, %parallel_loop3A_222 : i32
        %parallel_loop3A_224 = arith.andi %parallel_loop3A_220, %parallel_loop3A_223 : i1
        %parallel_loop3A_225 = arith.constant 1 : i32
        %parallel_loop3A_226 = arith.subi %parallel_loop3A_205, %parallel_loop3A_225 : i32
        %parallel_loop3A_227 = arith.select %parallel_loop3A_224, %parallel_loop3A_226, %parallel_loop3A_205 : i32
        %parallel_loop3A_228 = arith.index_cast %parallel_loop3A_227 : i32 to index
        %parallel_loop3A_229 = tpu.vector_load %arg5[%parallel_loop3A_228] {strides = array<i32>} : memref<25088xi32, #tpu.memory_space<vmem>>, vector<16xi32>,
        %parallel_loop3A_230 = arith.constant 65535 : i32
        %parallel_loop3A_231 = vector.broadcast %parallel_loop3A_230 : i32 to vector<16xi32>
        %parallel_loop3A_232 = arith.andi %parallel_loop3A_229, %parallel_loop3A_231 : vector<16xi32>
        %parallel_loop3A_233 = arith.constant 16 : i32
        %parallel_loop3A_234 = vector.broadcast %parallel_loop3A_233 : i32 to vector<16xi32>
        %parallel_loop3A_235 = arith.shrui %parallel_loop3A_229, %parallel_loop3A_234 : vector<16xi32>
        %parallel_loop3A_236 = arith.constant 8 : i32
        %parallel_loop3A_237 = vector.broadcast %parallel_loop3A_236 : i32 to vector<16xi32>
        %parallel_loop3A_238 = arith.shrui %parallel_loop3A_232, %parallel_loop3A_237 : vector<16xi32>
        %parallel_loop3A_239 = arith.constant 255 : i32
        %parallel_loop3A_240 = vector.broadcast %parallel_loop3A_239 : i32 to vector<16xi32>
        %parallel_loop3A_241 = arith.andi %parallel_loop3A_232, %parallel_loop3A_240 : vector<16xi32>
        %parallel_loop3A_242 = tpu.vector_load_idx %arg6[%parallel_loop3A_238, %parallel_loop3A_241] : memref<232x224xf32, #tpu.memory_space<vmem>>[vector<16xi32>, vector<16xi32>], vector<16xf32>,
        %parallel_loop3A_243 = arith.constant 0 : i32
        %parallel_loop3A_244 = arith.addi %parallel_loop3A_201, %parallel_loop3A_243 : i32
        %parallel_loop3A_245 = arith.index_cast %parallel_loop3A_244 : i32 to index
        %parallel_loop3A_246 = tpu.vector_load %arg8[%parallel_loop3A_245] {strides = array<i32>} : memref<6272xf32, #tpu.memory_space<vmem>>, vector<16xf32>,
        tpu.vector_store %arg8[%parallel_loop3A_245], %parallel_loop3A_242 {strides = array<i32>} : memref<6272xf32, #tpu.memory_space<vmem>>, vector<16xf32>,
        %parallel_loop3A_247 = arith.constant 8 : i32
        %parallel_loop3A_248 = vector.broadcast %parallel_loop3A_247 : i32 to vector<16xi32>
        %parallel_loop3A_249 = arith.shrui %parallel_loop3A_235, %parallel_loop3A_248 : vector<16xi32>
        %parallel_loop3A_250 = arith.constant 255 : i32
        %parallel_loop3A_251 = vector.broadcast %parallel_loop3A_250 : i32 to vector<16xi32>
        %parallel_loop3A_252 = arith.andi %parallel_loop3A_235, %parallel_loop3A_251 : vector<16xi32>
        %parallel_loop3A_253 = tpu.vector_load_idx %arg6[%parallel_loop3A_249, %parallel_loop3A_252] : memref<232x224xf32, #tpu.memory_space<vmem>>[vector<16xi32>, vector<16xi32>], vector<16xf32>,
        %parallel_loop3A_254 = arith.constant 16 : i32
        %parallel_loop3A_255 = arith.addi %parallel_loop3A_201, %parallel_loop3A_254 : i32
        %parallel_loop3A_256 = arith.index_cast %parallel_loop3A_255 : i32 to index
        %parallel_loop3A_257 = tpu.vector_load %arg8[%parallel_loop3A_256] {strides = array<i32>} : memref<6272xf32, #tpu.memory_space<vmem>>, vector<16xf32>,
        tpu.vector_store %arg8[%parallel_loop3A_256], %parallel_loop3A_253 {strides = array<i32>} : memref<6272xf32, #tpu.memory_space<vmem>>, vector<16xf32>,
      } {sc.loop_unroll_factor = 4 : i64, sc.parallel_access}
      %dma_start3A_126 = arith.constant 18816 : i32
      %dma_start3A_127 = tpu.memref_slice %arg4[%select_n3A, %sub3A_64, %dma_start3A_126] : memref<8x96x50176xf32, #tpu.memory_space<hbm>> -> memref<1x1x6272xf32, #tpu.memory_space<hbm>>
      %dma_start3A_128 = tpu.memref_squeeze %dma_start3A_127 : memref<1x1x6272xf32, #tpu.memory_space<hbm>> -> memref<6272xf32, #tpu.memory_space<hbm>>
      %dma_start3A_129 = arith.constant 18816 : i32
      %dma_start3A_130 = tpu.memref_slice %arg4[%select_n3A, %sub3A_64, %dma_start3A_129] : memref<8x96x50176xf32, #tpu.memory_space<hbm>> -> memref<1x1x6272xf32, #tpu.memory_space<hbm>>
      %dma_start3A_131 = tpu.memref_squeeze %dma_start3A_130 : memref<1x1x6272xf32, #tpu.memory_space<hbm>> -> memref<6272xf32, #tpu.memory_space<hbm>>
      tpu.enqueue_dma source(%arg8 : memref<6272xf32, #tpu.memory_space<vmem>>) target(%dma_start3A_131 : memref<6272xf32, #tpu.memory_space<hbm>>) target_semaphore(%arg10 : memref<!tpu.dma_semaphore, #tpu.memory_space<semaphore_mem>>)
      %dma_wait3A_132 = arith.constant 0 : i32
      %dma_wait3A_133 = arith.constant 0 : i32
      %dma_wait3A_134 = arith.constant 25088 : i32
      %dma_wait3A_135 = tpu.memref_slice %arg4[%dma_wait3A_132, %dma_wait3A_133, %dma_wait3A_134] : memref<8x96x50176xf32, #tpu.memory_space<hbm>> -> memref<1x1x6272xf32, #tpu.memory_space<hbm>>
      %dma_wait3A_136 = tpu.memref_squeeze %dma_wait3A_135 : memref<1x1x6272xf32, #tpu.memory_space<hbm>> -> memref<6272xf32, #tpu.memory_space<hbm>>
      %dma_wait3A_137 = arith.constant 25088 : i32
      %dma_wait3A_138 = tpu.memref_slice %arg4[%dma_wait3A_132, %dma_wait3A_133, %dma_wait3A_137] : memref<8x96x50176xf32, #tpu.memory_space<hbm>> -> memref<1x1x6272xf32, #tpu.memory_space<hbm>>
      %dma_wait3A_139 = tpu.memref_squeeze %dma_wait3A_138 : memref<1x1x6272xf32, #tpu.memory_space<hbm>> -> memref<6272xf32, #tpu.memory_space<hbm>>
      tpu.wait_dma2 semaphore(%arg9 : memref<!tpu.dma_semaphore, #tpu.memory_space<semaphore_mem>>) src(%arg7 : memref<6272xf32, #tpu.memory_space<vmem>>) dst(%dma_wait3A_139 : memref<6272xf32, #tpu.memory_space<hbm>>)
      %parallel_loop3A_140 = arith.constant 0 : i32
      %parallel_loop3A_141 = arith.constant 6272 : i32
      %parallel_loop3A_142 = arith.constant 32 : i32
      scf.for %parallel_loop3A_201 = %parallel_loop3A_140 to %parallel_loop3A_141 step %parallel_loop3A_142  : i32 {
        %parallel_loop3A_202 = arith.constant 25088 : i32
        %parallel_loop3A_203 = arith.addi %parallel_loop3A_202, %parallel_loop3A_201 : i32
        %parallel_loop3A_204 = arith.constant 2 : i32
        %parallel_loop3A_205 = arith.divsi %parallel_loop3A_203, %parallel_loop3A_204 : i32
        %parallel_loop3A_206 = arith.constant 0 : i32
        %parallel_loop3A_207 = arith.cmpi sgt, %parallel_loop3A_203, %parallel_loop3A_206 : i32
        %parallel_loop3A_208 = arith.extui %parallel_loop3A_207 : i1 to i32
        %parallel_loop3A_209 = arith.constant 0 : i32
        %parallel_loop3A_210 = arith.cmpi slt, %parallel_loop3A_203, %parallel_loop3A_209 : i32
        %parallel_loop3A_211 = arith.extui %parallel_loop3A_210 : i1 to i32
        %parallel_loop3A_212 = arith.subi %parallel_loop3A_208, %parallel_loop3A_211 : i32
        %parallel_loop3A_213 = arith.constant 0 : i32
        %parallel_loop3A_214 = arith.cmpi sgt, %parallel_loop3A_204, %parallel_loop3A_213 : i32
        %parallel_loop3A_215 = arith.extui %parallel_loop3A_214 : i1 to i32
        %parallel_loop3A_216 = arith.constant 0 : i32
        %parallel_loop3A_217 = arith.cmpi slt, %parallel_loop3A_204, %parallel_loop3A_216 : i32
        %parallel_loop3A_218 = arith.extui %parallel_loop3A_217 : i1 to i32
        %parallel_loop3A_219 = arith.subi %parallel_loop3A_215, %parallel_loop3A_218 : i32
        %parallel_loop3A_220 = arith.cmpi ne, %parallel_loop3A_212, %parallel_loop3A_219 : i32
        %parallel_loop3A_221 = arith.remsi %parallel_loop3A_203, %parallel_loop3A_204 : i32
        %parallel_loop3A_222 = arith.constant 0 : i32
        %parallel_loop3A_223 = arith.cmpi ne, %parallel_loop3A_221, %parallel_loop3A_222 : i32
        %parallel_loop3A_224 = arith.andi %parallel_loop3A_220, %parallel_loop3A_223 : i1
        %parallel_loop3A_225 = arith.constant 1 : i32
        %parallel_loop3A_226 = arith.subi %parallel_loop3A_205, %parallel_loop3A_225 : i32
        %parallel_loop3A_227 = arith.select %parallel_loop3A_224, %parallel_loop3A_226, %parallel_loop3A_205 : i32
        %parallel_loop3A_228 = arith.index_cast %parallel_loop3A_227 : i32 to index
        %parallel_loop3A_229 = tpu.vector_load %arg5[%parallel_loop3A_228] {strides = array<i32>} : memref<25088xi32, #tpu.memory_space<vmem>>, vector<16xi32>,
        %parallel_loop3A_230 = arith.constant 65535 : i32
        %parallel_loop3A_231 = vector.broadcast %parallel_loop3A_230 : i32 to vector<16xi32>
        %parallel_loop3A_232 = arith.andi %parallel_loop3A_229, %parallel_loop3A_231 : vector<16xi32>
        %parallel_loop3A_233 = arith.constant 16 : i32
        %parallel_loop3A_234 = vector.broadcast %parallel_loop3A_233 : i32 to vector<16xi32>
        %parallel_loop3A_235 = arith.shrui %parallel_loop3A_229, %parallel_loop3A_234 : vector<16xi32>
        %parallel_loop3A_236 = arith.constant 8 : i32
        %parallel_loop3A_237 = vector.broadcast %parallel_loop3A_236 : i32 to vector<16xi32>
        %parallel_loop3A_238 = arith.shrui %parallel_loop3A_232, %parallel_loop3A_237 : vector<16xi32>
        %parallel_loop3A_239 = arith.constant 255 : i32
        %parallel_loop3A_240 = vector.broadcast %parallel_loop3A_239 : i32 to vector<16xi32>
        %parallel_loop3A_241 = arith.andi %parallel_loop3A_232, %parallel_loop3A_240 : vector<16xi32>
        %parallel_loop3A_242 = tpu.vector_load_idx %arg6[%parallel_loop3A_238, %parallel_loop3A_241] : memref<232x224xf32, #tpu.memory_space<vmem>>[vector<16xi32>, vector<16xi32>], vector<16xf32>,
        %parallel_loop3A_243 = arith.constant 0 : i32
        %parallel_loop3A_244 = arith.addi %parallel_loop3A_201, %parallel_loop3A_243 : i32
        %parallel_loop3A_245 = arith.index_cast %parallel_loop3A_244 : i32 to index
        %parallel_loop3A_246 = tpu.vector_load %arg7[%parallel_loop3A_245] {strides = array<i32>} : memref<6272xf32, #tpu.memory_space<vmem>>, vector<16xf32>,
        tpu.vector_store %arg7[%parallel_loop3A_245], %parallel_loop3A_242 {strides = array<i32>} : memref<6272xf32, #tpu.memory_space<vmem>>, vector<16xf32>,
        %parallel_loop3A_247 = arith.constant 8 : i32
        %parallel_loop3A_248 = vector.broadcast %parallel_loop3A_247 : i32 to vector<16xi32>
        %parallel_loop3A_249 = arith.shrui %parallel_loop3A_235, %parallel_loop3A_248 : vector<16xi32>
        %parallel_loop3A_250 = arith.constant 255 : i32
        %parallel_loop3A_251 = vector.broadcast %parallel_loop3A_250 : i32 to vector<16xi32>
        %parallel_loop3A_252 = arith.andi %parallel_loop3A_235, %parallel_loop3A_251 : vector<16xi32>
        %parallel_loop3A_253 = tpu.vector_load_idx %arg6[%parallel_loop3A_249, %parallel_loop3A_252] : memref<232x224xf32, #tpu.memory_space<vmem>>[vector<16xi32>, vector<16xi32>], vector<16xf32>,
        %parallel_loop3A_254 = arith.constant 16 : i32
        %parallel_loop3A_255 = arith.addi %parallel_loop3A_201, %parallel_loop3A_254 : i32
        %parallel_loop3A_256 = arith.index_cast %parallel_loop3A_255 : i32 to index
        %parallel_loop3A_257 = tpu.vector_load %arg7[%parallel_loop3A_256] {strides = array<i32>} : memref<6272xf32, #tpu.memory_space<vmem>>, vector<16xf32>,
        tpu.vector_store %arg7[%parallel_loop3A_256], %parallel_loop3A_253 {strides = array<i32>} : memref<6272xf32, #tpu.memory_space<vmem>>, vector<16xf32>,
      } {sc.loop_unroll_factor = 4 : i64, sc.parallel_access}
      %dma_start3A_143 = arith.constant 25088 : i32
      %dma_start3A_144 = tpu.memref_slice %arg4[%select_n3A, %sub3A_64, %dma_start3A_143] : memref<8x96x50176xf32, #tpu.memory_space<hbm>> -> memref<1x1x6272xf32, #tpu.memory_space<hbm>>
      %dma_start3A_145 = tpu.memref_squeeze %dma_start3A_144 : memref<1x1x6272xf32, #tpu.memory_space<hbm>> -> memref<6272xf32, #tpu.memory_space<hbm>>
      %dma_start3A_146 = arith.constant 25088 : i32
      %dma_start3A_147 = tpu.memref_slice %arg4[%select_n3A, %sub3A_64, %dma_start3A_146] : memref<8x96x50176xf32, #tpu.memory_space<hbm>> -> memref<1x1x6272xf32, #tpu.memory_space<hbm>>
      %dma_start3A_148 = tpu.memref_squeeze %dma_start3A_147 : memref<1x1x6272xf32, #tpu.memory_space<hbm>> -> memref<6272xf32, #tpu.memory_space<hbm>>
      tpu.enqueue_dma source(%arg7 : memref<6272xf32, #tpu.memory_space<vmem>>) target(%dma_start3A_148 : memref<6272xf32, #tpu.memory_space<hbm>>) target_semaphore(%arg9 : memref<!tpu.dma_semaphore, #tpu.memory_space<semaphore_mem>>)
      %dma_wait3A_149 = arith.constant 0 : i32
      %dma_wait3A_150 = arith.constant 0 : i32
      %dma_wait3A_151 = arith.constant 31360 : i32
      %dma_wait3A_152 = tpu.memref_slice %arg4[%dma_wait3A_149, %dma_wait3A_150, %dma_wait3A_151] : memref<8x96x50176xf32, #tpu.memory_space<hbm>> -> memref<1x1x6272xf32, #tpu.memory_space<hbm>>
      %dma_wait3A_153 = tpu.memref_squeeze %dma_wait3A_152 : memref<1x1x6272xf32, #tpu.memory_space<hbm>> -> memref<6272xf32, #tpu.memory_space<hbm>>
      %dma_wait3A_154 = arith.constant 31360 : i32
      %dma_wait3A_155 = tpu.memref_slice %arg4[%dma_wait3A_149, %dma_wait3A_150, %dma_wait3A_154] : memref<8x96x50176xf32, #tpu.memory_space<hbm>> -> memref<1x1x6272xf32, #tpu.memory_space<hbm>>
      %dma_wait3A_156 = tpu.memref_squeeze %dma_wait3A_155 : memref<1x1x6272xf32, #tpu.memory_space<hbm>> -> memref<6272xf32, #tpu.memory_space<hbm>>
      tpu.wait_dma2 semaphore(%arg10 : memref<!tpu.dma_semaphore, #tpu.memory_space<semaphore_mem>>) src(%arg8 : memref<6272xf32, #tpu.memory_space<vmem>>) dst(%dma_wait3A_156 : memref<6272xf32, #tpu.memory_space<hbm>>)
      %parallel_loop3A_157 = arith.constant 0 : i32
      %parallel_loop3A_158 = arith.constant 6272 : i32
      %parallel_loop3A_159 = arith.constant 32 : i32
      scf.for %parallel_loop3A_201 = %parallel_loop3A_157 to %parallel_loop3A_158 step %parallel_loop3A_159  : i32 {
        %parallel_loop3A_202 = arith.constant 31360 : i32
        %parallel_loop3A_203 = arith.addi %parallel_loop3A_202, %parallel_loop3A_201 : i32
        %parallel_loop3A_204 = arith.constant 2 : i32
        %parallel_loop3A_205 = arith.divsi %parallel_loop3A_203, %parallel_loop3A_204 : i32
        %parallel_loop3A_206 = arith.constant 0 : i32
        %parallel_loop3A_207 = arith.cmpi sgt, %parallel_loop3A_203, %parallel_loop3A_206 : i32
        %parallel_loop3A_208 = arith.extui %parallel_loop3A_207 : i1 to i32
        %parallel_loop3A_209 = arith.constant 0 : i32
        %parallel_loop3A_210 = arith.cmpi slt, %parallel_loop3A_203, %parallel_loop3A_209 : i32
        %parallel_loop3A_211 = arith.extui %parallel_loop3A_210 : i1 to i32
        %parallel_loop3A_212 = arith.subi %parallel_loop3A_208, %parallel_loop3A_211 : i32
        %parallel_loop3A_213 = arith.constant 0 : i32
        %parallel_loop3A_214 = arith.cmpi sgt, %parallel_loop3A_204, %parallel_loop3A_213 : i32
        %parallel_loop3A_215 = arith.extui %parallel_loop3A_214 : i1 to i32
        %parallel_loop3A_216 = arith.constant 0 : i32
        %parallel_loop3A_217 = arith.cmpi slt, %parallel_loop3A_204, %parallel_loop3A_216 : i32
        %parallel_loop3A_218 = arith.extui %parallel_loop3A_217 : i1 to i32
        %parallel_loop3A_219 = arith.subi %parallel_loop3A_215, %parallel_loop3A_218 : i32
        %parallel_loop3A_220 = arith.cmpi ne, %parallel_loop3A_212, %parallel_loop3A_219 : i32
        %parallel_loop3A_221 = arith.remsi %parallel_loop3A_203, %parallel_loop3A_204 : i32
        %parallel_loop3A_222 = arith.constant 0 : i32
        %parallel_loop3A_223 = arith.cmpi ne, %parallel_loop3A_221, %parallel_loop3A_222 : i32
        %parallel_loop3A_224 = arith.andi %parallel_loop3A_220, %parallel_loop3A_223 : i1
        %parallel_loop3A_225 = arith.constant 1 : i32
        %parallel_loop3A_226 = arith.subi %parallel_loop3A_205, %parallel_loop3A_225 : i32
        %parallel_loop3A_227 = arith.select %parallel_loop3A_224, %parallel_loop3A_226, %parallel_loop3A_205 : i32
        %parallel_loop3A_228 = arith.index_cast %parallel_loop3A_227 : i32 to index
        %parallel_loop3A_229 = tpu.vector_load %arg5[%parallel_loop3A_228] {strides = array<i32>} : memref<25088xi32, #tpu.memory_space<vmem>>, vector<16xi32>,
        %parallel_loop3A_230 = arith.constant 65535 : i32
        %parallel_loop3A_231 = vector.broadcast %parallel_loop3A_230 : i32 to vector<16xi32>
        %parallel_loop3A_232 = arith.andi %parallel_loop3A_229, %parallel_loop3A_231 : vector<16xi32>
        %parallel_loop3A_233 = arith.constant 16 : i32
        %parallel_loop3A_234 = vector.broadcast %parallel_loop3A_233 : i32 to vector<16xi32>
        %parallel_loop3A_235 = arith.shrui %parallel_loop3A_229, %parallel_loop3A_234 : vector<16xi32>
        %parallel_loop3A_236 = arith.constant 8 : i32
        %parallel_loop3A_237 = vector.broadcast %parallel_loop3A_236 : i32 to vector<16xi32>
        %parallel_loop3A_238 = arith.shrui %parallel_loop3A_232, %parallel_loop3A_237 : vector<16xi32>
        %parallel_loop3A_239 = arith.constant 255 : i32
        %parallel_loop3A_240 = vector.broadcast %parallel_loop3A_239 : i32 to vector<16xi32>
        %parallel_loop3A_241 = arith.andi %parallel_loop3A_232, %parallel_loop3A_240 : vector<16xi32>
        %parallel_loop3A_242 = tpu.vector_load_idx %arg6[%parallel_loop3A_238, %parallel_loop3A_241] : memref<232x224xf32, #tpu.memory_space<vmem>>[vector<16xi32>, vector<16xi32>], vector<16xf32>,
        %parallel_loop3A_243 = arith.constant 0 : i32
        %parallel_loop3A_244 = arith.addi %parallel_loop3A_201, %parallel_loop3A_243 : i32
        %parallel_loop3A_245 = arith.index_cast %parallel_loop3A_244 : i32 to index
        %parallel_loop3A_246 = tpu.vector_load %arg8[%parallel_loop3A_245] {strides = array<i32>} : memref<6272xf32, #tpu.memory_space<vmem>>, vector<16xf32>,
        tpu.vector_store %arg8[%parallel_loop3A_245], %parallel_loop3A_242 {strides = array<i32>} : memref<6272xf32, #tpu.memory_space<vmem>>, vector<16xf32>,
        %parallel_loop3A_247 = arith.constant 8 : i32
        %parallel_loop3A_248 = vector.broadcast %parallel_loop3A_247 : i32 to vector<16xi32>
        %parallel_loop3A_249 = arith.shrui %parallel_loop3A_235, %parallel_loop3A_248 : vector<16xi32>
        %parallel_loop3A_250 = arith.constant 255 : i32
        %parallel_loop3A_251 = vector.broadcast %parallel_loop3A_250 : i32 to vector<16xi32>
        %parallel_loop3A_252 = arith.andi %parallel_loop3A_235, %parallel_loop3A_251 : vector<16xi32>
        %parallel_loop3A_253 = tpu.vector_load_idx %arg6[%parallel_loop3A_249, %parallel_loop3A_252] : memref<232x224xf32, #tpu.memory_space<vmem>>[vector<16xi32>, vector<16xi32>], vector<16xf32>,
        %parallel_loop3A_254 = arith.constant 16 : i32
        %parallel_loop3A_255 = arith.addi %parallel_loop3A_201, %parallel_loop3A_254 : i32
        %parallel_loop3A_256 = arith.index_cast %parallel_loop3A_255 : i32 to index
        %parallel_loop3A_257 = tpu.vector_load %arg8[%parallel_loop3A_256] {strides = array<i32>} : memref<6272xf32, #tpu.memory_space<vmem>>, vector<16xf32>,
        tpu.vector_store %arg8[%parallel_loop3A_256], %parallel_loop3A_253 {strides = array<i32>} : memref<6272xf32, #tpu.memory_space<vmem>>, vector<16xf32>,
      } {sc.loop_unroll_factor = 4 : i64, sc.parallel_access}
      %dma_start3A_160 = arith.constant 31360 : i32
      %dma_start3A_161 = tpu.memref_slice %arg4[%select_n3A, %sub3A_64, %dma_start3A_160] : memref<8x96x50176xf32, #tpu.memory_space<hbm>> -> memref<1x1x6272xf32, #tpu.memory_space<hbm>>
      %dma_start3A_162 = tpu.memref_squeeze %dma_start3A_161 : memref<1x1x6272xf32, #tpu.memory_space<hbm>> -> memref<6272xf32, #tpu.memory_space<hbm>>
      %dma_start3A_163 = arith.constant 31360 : i32
      %dma_start3A_164 = tpu.memref_slice %arg4[%select_n3A, %sub3A_64, %dma_start3A_163] : memref<8x96x50176xf32, #tpu.memory_space<hbm>> -> memref<1x1x6272xf32, #tpu.memory_space<hbm>>
      %dma_start3A_165 = tpu.memref_squeeze %dma_start3A_164 : memref<1x1x6272xf32, #tpu.memory_space<hbm>> -> memref<6272xf32, #tpu.memory_space<hbm>>
      tpu.enqueue_dma source(%arg8 : memref<6272xf32, #tpu.memory_space<vmem>>) target(%dma_start3A_165 : memref<6272xf32, #tpu.memory_space<hbm>>) target_semaphore(%arg10 : memref<!tpu.dma_semaphore, #tpu.memory_space<semaphore_mem>>)
      %dma_wait3A_166 = arith.constant 0 : i32
      %dma_wait3A_167 = arith.constant 0 : i32
      %dma_wait3A_168 = arith.constant 37632 : i32
      %dma_wait3A_169 = tpu.memref_slice %arg4[%dma_wait3A_166, %dma_wait3A_167, %dma_wait3A_168] : memref<8x96x50176xf32, #tpu.memory_space<hbm>> -> memref<1x1x6272xf32, #tpu.memory_space<hbm>>
      %dma_wait3A_170 = tpu.memref_squeeze %dma_wait3A_169 : memref<1x1x6272xf32, #tpu.memory_space<hbm>> -> memref<6272xf32, #tpu.memory_space<hbm>>
      %dma_wait3A_171 = arith.constant 37632 : i32
      %dma_wait3A_172 = tpu.memref_slice %arg4[%dma_wait3A_166, %dma_wait3A_167, %dma_wait3A_171] : memref<8x96x50176xf32, #tpu.memory_space<hbm>> -> memref<1x1x6272xf32, #tpu.memory_space<hbm>>
      %dma_wait3A_173 = tpu.memref_squeeze %dma_wait3A_172 : memref<1x1x6272xf32, #tpu.memory_space<hbm>> -> memref<6272xf32, #tpu.memory_space<hbm>>
      tpu.wait_dma2 semaphore(%arg9 : memref<!tpu.dma_semaphore, #tpu.memory_space<semaphore_mem>>) src(%arg7 : memref<6272xf32, #tpu.memory_space<vmem>>) dst(%dma_wait3A_173 : memref<6272xf32, #tpu.memory_space<hbm>>)
      %parallel_loop3A_174 = arith.constant 0 : i32
      %parallel_loop3A_175 = arith.constant 6272 : i32
      %parallel_loop3A_176 = arith.constant 32 : i32
      scf.for %parallel_loop3A_201 = %parallel_loop3A_174 to %parallel_loop3A_175 step %parallel_loop3A_176  : i32 {
        %parallel_loop3A_202 = arith.constant 37632 : i32
        %parallel_loop3A_203 = arith.addi %parallel_loop3A_202, %parallel_loop3A_201 : i32
        %parallel_loop3A_204 = arith.constant 2 : i32
        %parallel_loop3A_205 = arith.divsi %parallel_loop3A_203, %parallel_loop3A_204 : i32
        %parallel_loop3A_206 = arith.constant 0 : i32
        %parallel_loop3A_207 = arith.cmpi sgt, %parallel_loop3A_203, %parallel_loop3A_206 : i32
        %parallel_loop3A_208 = arith.extui %parallel_loop3A_207 : i1 to i32
        %parallel_loop3A_209 = arith.constant 0 : i32
        %parallel_loop3A_210 = arith.cmpi slt, %parallel_loop3A_203, %parallel_loop3A_209 : i32
        %parallel_loop3A_211 = arith.extui %parallel_loop3A_210 : i1 to i32
        %parallel_loop3A_212 = arith.subi %parallel_loop3A_208, %parallel_loop3A_211 : i32
        %parallel_loop3A_213 = arith.constant 0 : i32
        %parallel_loop3A_214 = arith.cmpi sgt, %parallel_loop3A_204, %parallel_loop3A_213 : i32
        %parallel_loop3A_215 = arith.extui %parallel_loop3A_214 : i1 to i32
        %parallel_loop3A_216 = arith.constant 0 : i32
        %parallel_loop3A_217 = arith.cmpi slt, %parallel_loop3A_204, %parallel_loop3A_216 : i32
        %parallel_loop3A_218 = arith.extui %parallel_loop3A_217 : i1 to i32
        %parallel_loop3A_219 = arith.subi %parallel_loop3A_215, %parallel_loop3A_218 : i32
        %parallel_loop3A_220 = arith.cmpi ne, %parallel_loop3A_212, %parallel_loop3A_219 : i32
        %parallel_loop3A_221 = arith.remsi %parallel_loop3A_203, %parallel_loop3A_204 : i32
        %parallel_loop3A_222 = arith.constant 0 : i32
        %parallel_loop3A_223 = arith.cmpi ne, %parallel_loop3A_221, %parallel_loop3A_222 : i32
        %parallel_loop3A_224 = arith.andi %parallel_loop3A_220, %parallel_loop3A_223 : i1
        %parallel_loop3A_225 = arith.constant 1 : i32
        %parallel_loop3A_226 = arith.subi %parallel_loop3A_205, %parallel_loop3A_225 : i32
        %parallel_loop3A_227 = arith.select %parallel_loop3A_224, %parallel_loop3A_226, %parallel_loop3A_205 : i32
        %parallel_loop3A_228 = arith.index_cast %parallel_loop3A_227 : i32 to index
        %parallel_loop3A_229 = tpu.vector_load %arg5[%parallel_loop3A_228] {strides = array<i32>} : memref<25088xi32, #tpu.memory_space<vmem>>, vector<16xi32>,
        %parallel_loop3A_230 = arith.constant 65535 : i32
        %parallel_loop3A_231 = vector.broadcast %parallel_loop3A_230 : i32 to vector<16xi32>
        %parallel_loop3A_232 = arith.andi %parallel_loop3A_229, %parallel_loop3A_231 : vector<16xi32>
        %parallel_loop3A_233 = arith.constant 16 : i32
        %parallel_loop3A_234 = vector.broadcast %parallel_loop3A_233 : i32 to vector<16xi32>
        %parallel_loop3A_235 = arith.shrui %parallel_loop3A_229, %parallel_loop3A_234 : vector<16xi32>
        %parallel_loop3A_236 = arith.constant 8 : i32
        %parallel_loop3A_237 = vector.broadcast %parallel_loop3A_236 : i32 to vector<16xi32>
        %parallel_loop3A_238 = arith.shrui %parallel_loop3A_232, %parallel_loop3A_237 : vector<16xi32>
        %parallel_loop3A_239 = arith.constant 255 : i32
        %parallel_loop3A_240 = vector.broadcast %parallel_loop3A_239 : i32 to vector<16xi32>
        %parallel_loop3A_241 = arith.andi %parallel_loop3A_232, %parallel_loop3A_240 : vector<16xi32>
        %parallel_loop3A_242 = tpu.vector_load_idx %arg6[%parallel_loop3A_238, %parallel_loop3A_241] : memref<232x224xf32, #tpu.memory_space<vmem>>[vector<16xi32>, vector<16xi32>], vector<16xf32>,
        %parallel_loop3A_243 = arith.constant 0 : i32
        %parallel_loop3A_244 = arith.addi %parallel_loop3A_201, %parallel_loop3A_243 : i32
        %parallel_loop3A_245 = arith.index_cast %parallel_loop3A_244 : i32 to index
        %parallel_loop3A_246 = tpu.vector_load %arg7[%parallel_loop3A_245] {strides = array<i32>} : memref<6272xf32, #tpu.memory_space<vmem>>, vector<16xf32>,
        tpu.vector_store %arg7[%parallel_loop3A_245], %parallel_loop3A_242 {strides = array<i32>} : memref<6272xf32, #tpu.memory_space<vmem>>, vector<16xf32>,
        %parallel_loop3A_247 = arith.constant 8 : i32
        %parallel_loop3A_248 = vector.broadcast %parallel_loop3A_247 : i32 to vector<16xi32>
        %parallel_loop3A_249 = arith.shrui %parallel_loop3A_235, %parallel_loop3A_248 : vector<16xi32>
        %parallel_loop3A_250 = arith.constant 255 : i32
        %parallel_loop3A_251 = vector.broadcast %parallel_loop3A_250 : i32 to vector<16xi32>
        %parallel_loop3A_252 = arith.andi %parallel_loop3A_235, %parallel_loop3A_251 : vector<16xi32>
        %parallel_loop3A_253 = tpu.vector_load_idx %arg6[%parallel_loop3A_249, %parallel_loop3A_252] : memref<232x224xf32, #tpu.memory_space<vmem>>[vector<16xi32>, vector<16xi32>], vector<16xf32>,
        %parallel_loop3A_254 = arith.constant 16 : i32
        %parallel_loop3A_255 = arith.addi %parallel_loop3A_201, %parallel_loop3A_254 : i32
        %parallel_loop3A_256 = arith.index_cast %parallel_loop3A_255 : i32 to index
        %parallel_loop3A_257 = tpu.vector_load %arg7[%parallel_loop3A_256] {strides = array<i32>} : memref<6272xf32, #tpu.memory_space<vmem>>, vector<16xf32>,
        tpu.vector_store %arg7[%parallel_loop3A_256], %parallel_loop3A_253 {strides = array<i32>} : memref<6272xf32, #tpu.memory_space<vmem>>, vector<16xf32>,
      } {sc.loop_unroll_factor = 4 : i64, sc.parallel_access}
      %dma_start3A_177 = arith.constant 37632 : i32
      %dma_start3A_178 = tpu.memref_slice %arg4[%select_n3A, %sub3A_64, %dma_start3A_177] : memref<8x96x50176xf32, #tpu.memory_space<hbm>> -> memref<1x1x6272xf32, #tpu.memory_space<hbm>>
      %dma_start3A_179 = tpu.memref_squeeze %dma_start3A_178 : memref<1x1x6272xf32, #tpu.memory_space<hbm>> -> memref<6272xf32, #tpu.memory_space<hbm>>
      %dma_start3A_180 = arith.constant 37632 : i32
      %dma_start3A_181 = tpu.memref_slice %arg4[%select_n3A, %sub3A_64, %dma_start3A_180] : memref<8x96x50176xf32, #tpu.memory_space<hbm>> -> memref<1x1x6272xf32, #tpu.memory_space<hbm>>
      %dma_start3A_182 = tpu.memref_squeeze %dma_start3A_181 : memref<1x1x6272xf32, #tpu.memory_space<hbm>> -> memref<6272xf32, #tpu.memory_space<hbm>>
      tpu.enqueue_dma source(%arg7 : memref<6272xf32, #tpu.memory_space<vmem>>) target(%dma_start3A_182 : memref<6272xf32, #tpu.memory_space<hbm>>) target_semaphore(%arg9 : memref<!tpu.dma_semaphore, #tpu.memory_space<semaphore_mem>>)
      %dma_wait3A_183 = arith.constant 0 : i32
      %dma_wait3A_184 = arith.constant 0 : i32
      %dma_wait3A_185 = arith.constant 43904 : i32
      %dma_wait3A_186 = tpu.memref_slice %arg4[%dma_wait3A_183, %dma_wait3A_184, %dma_wait3A_185] : memref<8x96x50176xf32, #tpu.memory_space<hbm>> -> memref<1x1x6272xf32, #tpu.memory_space<hbm>>
      %dma_wait3A_187 = tpu.memref_squeeze %dma_wait3A_186 : memref<1x1x6272xf32, #tpu.memory_space<hbm>> -> memref<6272xf32, #tpu.memory_space<hbm>>
      %dma_wait3A_188 = arith.constant 43904 : i32
      %dma_wait3A_189 = tpu.memref_slice %arg4[%dma_wait3A_183, %dma_wait3A_184, %dma_wait3A_188] : memref<8x96x50176xf32, #tpu.memory_space<hbm>> -> memref<1x1x6272xf32, #tpu.memory_space<hbm>>
      %dma_wait3A_190 = tpu.memref_squeeze %dma_wait3A_189 : memref<1x1x6272xf32, #tpu.memory_space<hbm>> -> memref<6272xf32, #tpu.memory_space<hbm>>
      tpu.wait_dma2 semaphore(%arg10 : memref<!tpu.dma_semaphore, #tpu.memory_space<semaphore_mem>>) src(%arg8 : memref<6272xf32, #tpu.memory_space<vmem>>) dst(%dma_wait3A_190 : memref<6272xf32, #tpu.memory_space<hbm>>)
      %parallel_loop3A_191 = arith.constant 0 : i32
      %parallel_loop3A_192 = arith.constant 6272 : i32
      %parallel_loop3A_193 = arith.constant 32 : i32
      scf.for %parallel_loop3A_201 = %parallel_loop3A_191 to %parallel_loop3A_192 step %parallel_loop3A_193  : i32 {
        %parallel_loop3A_202 = arith.constant 43904 : i32
        %parallel_loop3A_203 = arith.addi %parallel_loop3A_202, %parallel_loop3A_201 : i32
        %parallel_loop3A_204 = arith.constant 2 : i32
        %parallel_loop3A_205 = arith.divsi %parallel_loop3A_203, %parallel_loop3A_204 : i32
        %parallel_loop3A_206 = arith.constant 0 : i32
        %parallel_loop3A_207 = arith.cmpi sgt, %parallel_loop3A_203, %parallel_loop3A_206 : i32
        %parallel_loop3A_208 = arith.extui %parallel_loop3A_207 : i1 to i32
        %parallel_loop3A_209 = arith.constant 0 : i32
        %parallel_loop3A_210 = arith.cmpi slt, %parallel_loop3A_203, %parallel_loop3A_209 : i32
        %parallel_loop3A_211 = arith.extui %parallel_loop3A_210 : i1 to i32
        %parallel_loop3A_212 = arith.subi %parallel_loop3A_208, %parallel_loop3A_211 : i32
        %parallel_loop3A_213 = arith.constant 0 : i32
        %parallel_loop3A_214 = arith.cmpi sgt, %parallel_loop3A_204, %parallel_loop3A_213 : i32
        %parallel_loop3A_215 = arith.extui %parallel_loop3A_214 : i1 to i32
        %parallel_loop3A_216 = arith.constant 0 : i32
        %parallel_loop3A_217 = arith.cmpi slt, %parallel_loop3A_204, %parallel_loop3A_216 : i32
        %parallel_loop3A_218 = arith.extui %parallel_loop3A_217 : i1 to i32
        %parallel_loop3A_219 = arith.subi %parallel_loop3A_215, %parallel_loop3A_218 : i32
        %parallel_loop3A_220 = arith.cmpi ne, %parallel_loop3A_212, %parallel_loop3A_219 : i32
        %parallel_loop3A_221 = arith.remsi %parallel_loop3A_203, %parallel_loop3A_204 : i32
        %parallel_loop3A_222 = arith.constant 0 : i32
        %parallel_loop3A_223 = arith.cmpi ne, %parallel_loop3A_221, %parallel_loop3A_222 : i32
        %parallel_loop3A_224 = arith.andi %parallel_loop3A_220, %parallel_loop3A_223 : i1
        %parallel_loop3A_225 = arith.constant 1 : i32
        %parallel_loop3A_226 = arith.subi %parallel_loop3A_205, %parallel_loop3A_225 : i32
        %parallel_loop3A_227 = arith.select %parallel_loop3A_224, %parallel_loop3A_226, %parallel_loop3A_205 : i32
        %parallel_loop3A_228 = arith.index_cast %parallel_loop3A_227 : i32 to index
        %parallel_loop3A_229 = tpu.vector_load %arg5[%parallel_loop3A_228] {strides = array<i32>} : memref<25088xi32, #tpu.memory_space<vmem>>, vector<16xi32>,
        %parallel_loop3A_230 = arith.constant 65535 : i32
        %parallel_loop3A_231 = vector.broadcast %parallel_loop3A_230 : i32 to vector<16xi32>
        %parallel_loop3A_232 = arith.andi %parallel_loop3A_229, %parallel_loop3A_231 : vector<16xi32>
        %parallel_loop3A_233 = arith.constant 16 : i32
        %parallel_loop3A_234 = vector.broadcast %parallel_loop3A_233 : i32 to vector<16xi32>
        %parallel_loop3A_235 = arith.shrui %parallel_loop3A_229, %parallel_loop3A_234 : vector<16xi32>
        %parallel_loop3A_236 = arith.constant 8 : i32
        %parallel_loop3A_237 = vector.broadcast %parallel_loop3A_236 : i32 to vector<16xi32>
        %parallel_loop3A_238 = arith.shrui %parallel_loop3A_232, %parallel_loop3A_237 : vector<16xi32>
        %parallel_loop3A_239 = arith.constant 255 : i32
        %parallel_loop3A_240 = vector.broadcast %parallel_loop3A_239 : i32 to vector<16xi32>
        %parallel_loop3A_241 = arith.andi %parallel_loop3A_232, %parallel_loop3A_240 : vector<16xi32>
        %parallel_loop3A_242 = tpu.vector_load_idx %arg6[%parallel_loop3A_238, %parallel_loop3A_241] : memref<232x224xf32, #tpu.memory_space<vmem>>[vector<16xi32>, vector<16xi32>], vector<16xf32>,
        %parallel_loop3A_243 = arith.constant 0 : i32
        %parallel_loop3A_244 = arith.addi %parallel_loop3A_201, %parallel_loop3A_243 : i32
        %parallel_loop3A_245 = arith.index_cast %parallel_loop3A_244 : i32 to index
        %parallel_loop3A_246 = tpu.vector_load %arg8[%parallel_loop3A_245] {strides = array<i32>} : memref<6272xf32, #tpu.memory_space<vmem>>, vector<16xf32>,
        tpu.vector_store %arg8[%parallel_loop3A_245], %parallel_loop3A_242 {strides = array<i32>} : memref<6272xf32, #tpu.memory_space<vmem>>, vector<16xf32>,
        %parallel_loop3A_247 = arith.constant 8 : i32
        %parallel_loop3A_248 = vector.broadcast %parallel_loop3A_247 : i32 to vector<16xi32>
        %parallel_loop3A_249 = arith.shrui %parallel_loop3A_235, %parallel_loop3A_248 : vector<16xi32>
        %parallel_loop3A_250 = arith.constant 255 : i32
        %parallel_loop3A_251 = vector.broadcast %parallel_loop3A_250 : i32 to vector<16xi32>
        %parallel_loop3A_252 = arith.andi %parallel_loop3A_235, %parallel_loop3A_251 : vector<16xi32>
        %parallel_loop3A_253 = tpu.vector_load_idx %arg6[%parallel_loop3A_249, %parallel_loop3A_252] : memref<232x224xf32, #tpu.memory_space<vmem>>[vector<16xi32>, vector<16xi32>], vector<16xf32>,
        %parallel_loop3A_254 = arith.constant 16 : i32
        %parallel_loop3A_255 = arith.addi %parallel_loop3A_201, %parallel_loop3A_254 : i32
        %parallel_loop3A_256 = arith.index_cast %parallel_loop3A_255 : i32 to index
        %parallel_loop3A_257 = tpu.vector_load %arg8[%parallel_loop3A_256] {strides = array<i32>} : memref<6272xf32, #tpu.memory_space<vmem>>, vector<16xf32>,
        tpu.vector_store %arg8[%parallel_loop3A_256], %parallel_loop3A_253 {strides = array<i32>} : memref<6272xf32, #tpu.memory_space<vmem>>, vector<16xf32>,
      } {sc.loop_unroll_factor = 4 : i64, sc.parallel_access}
      %dma_start3A_194 = arith.constant 43904 : i32
      %dma_start3A_195 = tpu.memref_slice %arg4[%select_n3A, %sub3A_64, %dma_start3A_194] : memref<8x96x50176xf32, #tpu.memory_space<hbm>> -> memref<1x1x6272xf32, #tpu.memory_space<hbm>>
      %dma_start3A_196 = tpu.memref_squeeze %dma_start3A_195 : memref<1x1x6272xf32, #tpu.memory_space<hbm>> -> memref<6272xf32, #tpu.memory_space<hbm>>
      %dma_start3A_197 = arith.constant 43904 : i32
      %dma_start3A_198 = tpu.memref_slice %arg4[%select_n3A, %sub3A_64, %dma_start3A_197] : memref<8x96x50176xf32, #tpu.memory_space<hbm>> -> memref<1x1x6272xf32, #tpu.memory_space<hbm>>
      %dma_start3A_199 = tpu.memref_squeeze %dma_start3A_198 : memref<1x1x6272xf32, #tpu.memory_space<hbm>> -> memref<6272xf32, #tpu.memory_space<hbm>>
      tpu.enqueue_dma source(%arg8 : memref<6272xf32, #tpu.memory_space<vmem>>) target(%dma_start3A_199 : memref<6272xf32, #tpu.memory_space<hbm>>) target_semaphore(%arg10 : memref<!tpu.dma_semaphore, #tpu.memory_space<semaphore_mem>>)
      %scan3A_200 = arith.constant 0 : i32
      scf.yield %scan3A_200 : i32
    }
    %scan3A_25 = arith.constant 24 : i32
    %dma_wait3A = arith.constant 0 : i32
    %dma_wait3A_26 = arith.constant 0 : i32
    %dma_wait3A_27 = arith.constant 0 : i32
    %dma_wait3A_28 = tpu.memref_slice %arg4[%dma_wait3A, %dma_wait3A_26, %dma_wait3A_27] : memref<8x96x50176xf32, #tpu.memory_space<hbm>> -> memref<1x1x6272xf32, #tpu.memory_space<hbm>>
    %dma_wait3A_29 = tpu.memref_squeeze %dma_wait3A_28 : memref<1x1x6272xf32, #tpu.memory_space<hbm>> -> memref<6272xf32, #tpu.memory_space<hbm>>
    %dma_wait3A_30 = arith.constant 0 : i32
    %dma_wait3A_31 = tpu.memref_slice %arg4[%dma_wait3A, %dma_wait3A_26, %dma_wait3A_30] : memref<8x96x50176xf32, #tpu.memory_space<hbm>> -> memref<1x1x6272xf32, #tpu.memory_space<hbm>>
    %dma_wait3A_32 = tpu.memref_squeeze %dma_wait3A_31 : memref<1x1x6272xf32, #tpu.memory_space<hbm>> -> memref<6272xf32, #tpu.memory_space<hbm>>
    tpu.wait_dma2 semaphore(%arg9 : memref<!tpu.dma_semaphore, #tpu.memory_space<semaphore_mem>>) src(%arg7 : memref<6272xf32, #tpu.memory_space<vmem>>) dst(%dma_wait3A_32 : memref<6272xf32, #tpu.memory_space<hbm>>)
    %dma_wait3A_33 = arith.constant 0 : i32
    %dma_wait3A_34 = arith.constant 0 : i32
    %dma_wait3A_35 = arith.constant 6272 : i32
    %dma_wait3A_36 = tpu.memref_slice %arg4[%dma_wait3A_33, %dma_wait3A_34, %dma_wait3A_35] : memref<8x96x50176xf32, #tpu.memory_space<hbm>> -> memref<1x1x6272xf32, #tpu.memory_space<hbm>>
    %dma_wait3A_37 = tpu.memref_squeeze %dma_wait3A_36 : memref<1x1x6272xf32, #tpu.memory_space<hbm>> -> memref<6272xf32, #tpu.memory_space<hbm>>
    %dma_wait3A_38 = arith.constant 6272 : i32
    %dma_wait3A_39 = tpu.memref_slice %arg4[%dma_wait3A_33, %dma_wait3A_34, %dma_wait3A_38] : memref<8x96x50176xf32, #tpu.memory_space<hbm>> -> memref<1x1x6272xf32, #tpu.memory_space<hbm>>
    %dma_wait3A_40 = tpu.memref_squeeze %dma_wait3A_39 : memref<1x1x6272xf32, #tpu.memory_space<hbm>> -> memref<6272xf32, #tpu.memory_space<hbm>>
    tpu.wait_dma2 semaphore(%arg10 : memref<!tpu.dma_semaphore, #tpu.memory_space<semaphore_mem>>) src(%arg8 : memref<6272xf32, #tpu.memory_space<vmem>>) dst(%dma_wait3A_40 : memref<6272xf32, #tpu.memory_space<hbm>>)
    return
  }
}

</mosaic_0001>

<sc_bundles>
// kernel: peano_sc_gather.3.cloned.1.call-start
scs
__scs_entry_jumppad:
0x0: {  	(pc) =	sbr.rel $0x88, $3  }
0x1: {  	(tag) =	ssettag $0x0;
	lr =	simm.s32 $0x1  }
0x2: {  	[smem:$0x3F9F] =	sst lr;
	_ =	strace $0xD0000000  }
0x3: {  	_ = 	snop  }
0x4: {  	_ = 	snop  }
0x5: {  	_ = 	snop  }
0x6: {  	_ = 	snop  }
0x7: {  	_ = 	snop  }
__scs_overlays_trampoline_lowered:
0x8: {  	[smem:$0x3FAE] =	sst s0  }
0x9: {  	[smem:$0x3FAF] =	sst s1  }
0xa: {  	[smem:$0x3FB0] =	sst s2  }
0xb: {  	[smem:$0x3FB1] =	sst s3  }
0xc: {  	[smem:$0x3FB2] =	sst s4  }
0xd: {  	[smem:$0x3FB3] =	sst s5  }
0xe: {  	[smem:$0x3FB4] =	sst s6  }
0xf: {  	[smem:$0x3FB5] =	sst s7  }
0x10: {  	[smem:$0x3FB6] =	sst s8  }
0x11: {  	[smem:$0x3FB7] =	sst s9;
	s0 =	simm.s32 @!p0 $0x0  }
0x12: {  	s1 =	sld [smem:$0x3F9D];
	s0 =	simm.s32 @p0 $0x1  }
0x13: {  	[smem:$0x3FB8] =	sst s0;
	s0 =	simm.s32 @!p1 $0x0  }
0x14: {  	s2 =	sld [smem:$0x3F9C];
	s0 =	simm.s32 @p1 $0x1  }
0x15: {  	[smem:$0x3FB9] =	sst s0;
	s0 =	simm.s32 @!p2 $0x0  }
0x16: {  	s3 =	sld [smem:$0x3FDB];
	s0 =	simm.s32 @p2 $0x1  }
0x17: {  	s4 =	simm.s32 $0x1BF5;
	[smem:$0x3FBB] =	sst s0  }
0x18: {  	s0 =	sld [smem:$0x3F9E];
	_ =	swait.ge [sflag:s4], $0x0  }
0x19: {  	s7 =	sld [smem:$0x3F9F]  }
0x1a: {  	s8 =	sadd.s32 $0xFFFFE003, lr  }
0x1b: {  	s9 =	sadd.s32 $0xFFFFFEF7, lr;
	s5 =	simm.s32 $0xFFFFFFFF;
	p2 =	slt.u32 s8, $0xFFFFF086  }
0x1c: {  	p1 =	slt.u32 s9, $0xF7A;
	s5 =	simm.s32 @!p2 $0x0  }
0x1d: {  	s5 =	simm.s32 @p1 $0x1;
	p0 =	seq.s32 s7, s2  }
0x1e: {  	s7 =	smul.u32 @!p0 $0xF7A, s2;
	p2 =	seq.s32 @!p0 s5, $0x0  }
0x1f: {  	s9 =	smul.u32 $0xF7A, s1;
	s8 =	simm.s32 @!p0 $0x1BF5;
	p2 =	por !p2, p0  }
0x20: {  	[sflag:s8] =	ssyncset.s32 @!p0 $0xFFFFF086;
	s6 =	sadd.s32 @!p0 s3, s7;
	s7 =	simm.s32 @!p0 $0x108  }
0x21: {  	s3 =	sadd.s32 s3, s9;
	s6 =	sadd.s32 @!p0 $0x88, s6;
	s7 =	simm.s32 @p2 $0x1082  }
0x22: {  	[simem:s7], [sflag:s8] =	dma.local @!p0 [hbm:s6], $0xF7A  }
0x23: {  	s9 =	sor.u32 $0xD0000000, s2;
	s6 =	simm.s32 $0x108;
	_ =	swait.ge @!p0 [sflag:s8], $0x0  }
0x24: {  	s3 =	sadd.s32 $0x88, s3;
	s6 =	simm.s32 @!p1 $0x1082;
	[sflag:s4] =	ssyncset.s32 $0xFFFFF086  }
0x25: {  	[simem:s6], [sflag:s4] =	dma.local [hbm:s3], $0xF7A  }
0x26: {  	[smem:$0x3F9F] =	sst s1;
	(tag) =	ssettag s2;
	_ =	strace s9  }
0x27: {  	s1 =	sld [smem:$0x3FAF]  }
0x28: {  	s2 =	sld [smem:$0x3FB0]  }
0x29: {  	s4 =	sld [smem:$0x3FB2]  }
0x2a: {  	p0 =	seq.s32 s5, $0x0;
	s5 =	sld [smem:$0x3FB3]  }
0x2b: {  	s6 =	sld [smem:$0x3FB4]  }
0x2c: {  	s7 =	sld [smem:$0x3FB5]  }
0x2d: {  	s3 =	simm.s32 $0x108;
	s8 =	sld [smem:$0x3FB6]  }
0x2e: {  	s3 =	simm.s32 @!p0 $0x1082;
	s9 =	sld [smem:$0x3FB7]  }
0x2f: {  	lr =	sadd.s32 s0, s3;
	s0 =	sld [smem:$0x3FAE]  }
0x30: {  	s3 =	sld [smem:$0x3FB1]  }
0x31: {  	[smem:$0x3FBA] =	sst s10  }
0x32: {  	s10 =	sld [smem:$0x3FB8];
	_ =	sdelay $0x3  }
0x33: {  	p0 =	seq.s32 s10, $0x1;
	s10 =	sld [smem:$0x3FBA];
	_ =	sdelay $0x3  }
0x34: {  	[smem:$0x3FBA] =	sst s10  }
0x35: {  	s10 =	sld [smem:$0x3FB9];
	_ =	sdelay $0x3  }
0x36: {  	p1 =	seq.s32 s10, $0x1;
	s10 =	sld [smem:$0x3FBA];
	_ =	sdelay $0x3  }
0x37: {  	[smem:$0x3FBA] =	sst s10  }
0x38: {  	s10 =	sld [smem:$0x3FBB]  }
0x39: {  	_ = 	snop;
	(pc) =	sbr.ind lr, $3  }
0x3a: {  	_ = 	snop  }
0x3b: {  	_ = 	snop  }
0x3c: {  	p2 =	seq.s32 s10, $0x1;
	s10 =	sld [smem:$0x3FBA]  }
0x3d: {  	_ =	shalt  }
0x3e: {  	_ =	shalt  }
0x3f: {  	_ =	shalt  }
0x40: {  	_ =	shalt  }
0x41: {  	_ =	shalt  }
0x42: {  	_ =	shalt  }
0x43: {  	_ =	shalt  }
0x44: {  	_ =	shalt  }
0x45: {  	_ =	shalt  }
0x46: {  	_ =	shalt  }
0x47: {  	_ =	shalt  }
0x48: {  	_ =	shalt  }
0x49: {  	_ =	shalt  }
0x4a: {  	_ =	shalt  }
0x4b: {  	_ =	shalt  }
0x4c: {  	_ =	shalt  }
0x4d: {  	_ =	shalt  }
0x4e: {  	_ =	shalt  }
0x4f: {  	_ =	shalt  }
0x50: {  	_ =	shalt  }
0x51: {  	_ =	shalt  }
0x52: {  	_ =	shalt  }
0x53: {  	_ =	shalt  }
0x54: {  	_ =	shalt  }
0x55: {  	_ =	shalt  }
0x56: {  	_ =	shalt  }
0x57: {  	_ =	shalt  }
0x58: {  	_ =	shalt  }
0x59: {  	_ =	shalt  }
0x5a: {  	_ =	shalt  }
0x5b: {  	_ =	shalt  }
0x5c: {  	_ =	shalt  }
0x5d: {  	_ =	shalt  }
0x5e: {  	_ =	shalt  }
0x5f: {  	_ =	shalt  }
0x60: {  	_ =	shalt  }
0x61: {  	_ =	shalt  }
0x62: {  	_ =	shalt  }
0x63: {  	_ =	shalt  }
0x64: {  	_ =	shalt  }
0x65: {  	_ =	shalt  }
0x66: {  	_ =	shalt  }
0x67: {  	_ =	shalt  }
0x68: {  	_ =	shalt  }
0x69: {  	_ =	shalt  }
0x6a: {  	_ =	shalt  }
0x6b: {  	_ =	shalt  }
0x6c: {  	_ =	shalt  }
0x6d: {  	_ =	shalt  }
0x6e: {  	_ =	shalt  }
0x6f: {  	_ =	shalt  }
0x70: {  	_ =	shalt  }
0x71: {  	_ =	shalt  }
0x72: {  	_ =	shalt  }
0x73: {  	_ =	shalt  }
0x74: {  	_ =	shalt  }
0x75: {  	_ =	shalt  }
0x76: {  	_ =	shalt  }
0x77: {  	_ =	shalt  }
0x78: {  	_ =	shalt  }
0x79: {  	_ =	shalt  }
0x7a: {  	_ =	shalt  }
0x7b: {  	_ =	shalt  }
0x7c: {  	_ =	shalt  }
0x7d: {  	_ =	shalt  }
0x7e: {  	_ =	shalt  }
0x7f: {  	_ =	shalt  }
0x80: {  	_ =	shalt  }
0x81: {  	_ =	shalt  }
0x82: {  	_ =	shalt  }
0x83: {  	_ =	shalt  }
0x84: {  	_ =	shalt  }
0x85: {  	_ =	shalt  }
0x86: {  	_ =	shalt  }
0x87: {  	_ =	shalt  }
.Lfunc_end0:
.L_simem_size_0:
called_computation_lowered:
.L_overlay_start_0:
0x88: {  	s2 =	sld [smem:$0x3FD9]  }
0x89: {  	s3 =	sld [smem:$0x3FFE];
	_ =	sdelay $0x1  }
0x8a: {  	s1 =	srdreg.scid  }
0x8b: {  	s0 =	sand.u32 $0x1, s1  }
0x8c: {  	s18 =	sshll.u32 s0, $0xA;
	s2 =	sadd.s32 s3, s2  }
0x8d: {  	s2 =	sadd.s32 s2, s18  }
0x8e: {  	[smem:$0x3FC6] =	sst s2  }
0x8f: {  	_ = 	snop  }
0x90: {  	s2 =	sld [smem:$0x3FC9]  }
0x91: {  	s19 =	sld [smem:$0x3FC8]  }
0x92: {  	s4 =	sld [smem:$0x3FD0];
	(tm) =	ssettm $0x1  }
0x93: {  	s5 =	sld [smem:$0x3FFB];
	_ =	sdelay $0x3  }
0x94: {  	_ =	strace s5  }
0x95: {  	s5 =	sld [smem:$0x3FFC];
	_ =	sdelay $0x3  }
0x96: {  	_ =	strace s5  }
0x97: {  	s5 =	sld [smem:$0x3FFD];
	_ =	sdelay $0x3  }
0x98: {  	_ =	strace s5  }
0x99: {  	_ =	strace $0x8FFFFFFF  }
0x9a: {  	s20 =	sld [smem:$0x3FDB];
	_ =	sdelay $0x1  }
0x9b: {  	s6 =	simm.s32 $_scs_section_size  }
0x9c: {  	s7 =	simm.s32 $_size__tile_overlayer_lowered;
	s8 =	simm.s32 $_tile_overlayer_lowered  }
0x9d: {  	s23 =	simm.s32 $0x1BFF;
	s22 =	sshll.u32 s8, $0x1;
	s5 =	sadd.s32 s6, s20  }
0x9e: {  	s9 =	simm.s32 $0x0;
	s21 =	sshll.u32 s7, $0x1;
	s7 =	sadd.s32 s22, s5  }
0x9f: {  	[timem:s9], [sflag:s23] =	dma.local [hbm:s7], s21  }
0xa0: {  	_ =	swait.ge [sflag:s23], s21  }
0xa1: {  	s6 =	ssub.s32 $0x0, s21;
	[sflag:s23] =	ssyncset.done $0x0  }
0xa2: {  	[sflag:s23] =	ssyncadd.s32 s6;
	_ =	sdelay $0x1  }
0xa3: {  	s24 =	simm.s32 $0x1B8B  }
0xa4: {  	_ =	swait.ge [sflag:s24], $0x1  }
0xa5: {  	[sflag:s24] =	ssyncset.done $0x0  }
0xa6: {  	s25 =	simm.s32 $0x1B8E;
	[sflag:s24] =	ssyncadd.s32 $0xFFFFFFFF  }
0xa7: {  	s26 =	simm.s32 $execute0_lowered;
	[smem:$0x3FD2] =	sst s25  }
0xa8: {  	s6 =	sshll.u32 s26, $0x1;
	_ =	strace $0x80000046;
	[dreg:$0x1] =	wrdreg $0xFFFFFFFF  }
0xa9: {  	s28 =	simm.s32 $_size_execute0_lowered;
	s5 =	sadd.s32 s5, s6;
	[dreg:$0x0] =	wrdreg $0x0  }
0xaa: {  	s6 =	sshll.u32 s28, $0x1;
	[dreg:$0x2] =	wrdreg s5  }
0xab: {  	[dreg:$0x3] =	wrdreg s6  }
0xac: {  	[dreg:$0x4] =	wrdreg $0xC0  }
0xad: {  	_ =	task [dreg:s9], $0x5FFFF  }
0xae: {  	[dreg:$0x1] =	wrdreg $0xFFFFFFFF  }
0xaf: {  	[dreg:$0x0] =	wrdreg $0x60  }
0xb0: {  	[dreg:$0x2] =	wrdreg s2  }
0xb1: {  	[dreg:$0x3] =	wrdreg s19  }
0xb2: {  	[dreg:$0x4] =	wrdreg s4  }
0xb3: {  	[dreg:$0x5] =	wrdreg $0x9  }
0xb4: {  	_ =	task.clear_ibuf [dreg:s9], $0x6FFFF;
	_ =	strace $0x90000046  }
0xb5: {  	s29 =	simm.s32 $0x9;
	_ =	strace $0x80000048  }
0xb6: {  	_ =	swait.ge [sflag:s29], $0x1  }
0xb7: {  	[sflag:s29] =	ssyncadd.s32 $0xFFFFFFFF  }
0xb8: {  	_ =	strace $0x90000048  }
0xb9: {  	_ =	sfence  }
0xba: {  	s30 =	sld [smem:$0x0];
	_ =	sdelay $0x2  }
0xbb: {  	s31 =	sshll.u32 s1, $0xD;
	s1 =	sshrl.u32 s1, $0x2  }
0xbc: {  	s3 =	sand.u32 $0x4000, s31;
	s1 =	sadd.s32 s1, s30  }
0xbd: {  	s0 =	sor.u32 s3, s0;
	s1 =	sshll.u32 s1, $0x11  }
0xbe: {  	s0 =	sor.u32 s1, s0  }
0xbf: {  	s0 =	sadd.s32 $0x8F2B, s0  }
0xc0: {  	[sflag:s0] =	ssyncadd.remote.s32 $0x1  }
0xc1: {  	_ =	sfence.sel $0xFFFF  }
0xc2: {  	[dreg:$0x0] =	wrdreg $0xFFFFFFFF;
	(pc) =	sbr.abs _section_cstart, $3  }
0xc3: {  	[dreg:$0x1] =	wrdreg $0xFFFFFFFF  }
0xc4: {  	_ =	task.clear_ibuf [dreg:s9], $0x2FFFF;
	_ =	strace $0x9FFFFFFF  }
0xc5: {  	(tm) =	ssettm $0x7FFFFFFF  }
tec
execute0_lowered:
.L_overlay_start_1:
0x0: {  	(tag) =	ssettag $0x1  }
0x1: {  	s1 =	rddreg [dreg:$0x0]  }
0x2: {  	s2 =	rddreg [dreg:$0x1]  }
0x3: {  	s3 =	rddreg [dreg:$0x2]  }
0x4: {  	s4 =	srdreg.scid;
	s0 =	rddreg [dreg:$0x3];
	s5 =	simm.s32 $0x0  }
0x5: {  	s10 =	simm.s32 $0x80;
	s11 =	simm.s32 $0x400;
	s12 =	simm.s32 $0x14A00  }
0x6: {  	s13 =	simm.s32 $0x16280;
	s14 =	simm.s32 $0x6200;
	s15 =	simm.s32 $0x1  }
0x7: {  	s16 =	simm.s32 $0x2;
	s17 =	simm.s32 $0x0;
	s6 =	sand.u32 $0x1, s4  }
0x8: {  	s4 =	stileid.u32;
	[smem:$0x7FF] =	sst s5;
	s7 =	ssub.s32 $0x2, s6  }
0x9: {  	s9 =	sshll.u32 s4, $0x1;
	_ =	strace $0x80000047;
	s8 =	sshrl.u32 s7, $0x1  }
0xa: {  	s31 =	sor.u32 s6, s9;
	s6 =	sadd.s32 $0x1880, s3;
	s8 =	ssub.s32 s7, s8  }
0xb: {  	v0 =	vimm.f32 $0.0e+00;
	s9 =	simm.s32 $0x3;
	s7 =	smul.u32 $0x18, s31;
	s8 =	smax.u32 s8, $0x1  }
.LBB2_1:
0xc: {  	[tilespmem:s5], [sflag:$0x3] =	stream.linear.gather [hbm4b:s2+s5], $0x6200, $0x38;
	[tilespmem:$0x17B00] =	vst v63  }
0xd: {  	_ =	swait.ge [sflag:s9], $0x6200  }
0xe: {  	[sflag:s9] =	ssyncset.done $0x0  }
0xf: {  	[sflag:s9] =	ssyncadd.s32 $0xFFFF9E00  }
0x10: {  	[tilespmem:$0x14200] =	vst v0  }
0x11: {  	[tilespmem:s12], [sflag:$0x1] =	stream.strided.gather [hbm4b:s3+s10], $0x1880, s11, s10, $0x38;
	[tilespmem:$0x17B00] =	vst v63  }
0x12: {  	s18 =	simm.s32 $0x0  }
0x13: {  	[tilespmem:s13], [sflag:$0x2] =	stream.strided.gather [hbm4b:s6+s10], $0x1880, s11, s10, $0x38;
	[tilespmem:$0x17B00] =	vst v63  }
.LBB2_2:
0x14: {  	s20 =	sadd.s32 s7, s18  }
0x15: {  	s19 =	smulhi.u32 $0xAAAAAAAB, s20;
	_ =	sdelay $0x1  }
0x16: {  	s19 =	sshrl.u32 s19, $0x6  }
0x17: {  	s21 =	smul.u32 $0xFFFFFFA0, s19;
	_ =	sdelay $0x1  }
0x18: {  	s30 =	smul.u32 $0x540000, s19;
	s20 =	sadd.s32 s20, s21  }
0x19: {  	s22 =	smul.u32 $0xE000, s20;
	_ =	sdelay $0x1  }
0x1a: {  	s21 =	sadd.s32 s30, s22  }
0x1b: {  	s21 =	sshrl.u32 s21, $0x3  }
0x1c: {  	s21 =	sadd.s32 s1, s21  }
0x1d: {  	[tilespmem:s14], [sflag:$0x3] =	stream.linear.gather [hbm4b:s21+s5], $0xE000, $0x38;
	[tilespmem:$0x17B00] =	vst v63  }
0x1e: {  	_ =	swait.ge [sflag:s9], $0xE000  }
0x1f: {  	[sflag:s9] =	ssyncset.done $0x0  }
0x20: {  	[sflag:s9] =	ssyncadd.s32 $0xFFFF2000  }
0x21: {  	_ =	swait.ge [sflag:s15], $0x1880  }
0x22: {  	[sflag:s15] =	ssyncset.done $0x0  }
0x23: {  	s31 =	simm.s32 $0x20;
	[sflag:s15] =	ssyncadd.s32 $0xFFFFE780  }
0x24: {  	v2 =	vld [tilespmem:s31+$0x10]  }
0x25: {  	v15 =	vld [tilespmem:s31+$0xFFFFFFF0]  }
0x26: {  	v1 =	vld [tilespmem:s31+$0x0]  }
0x27: {  	v14 =	vld [tilespmem:s31+$0xFFFFFFE0];
	_ =	sdelay $0x2  }
0x28: {  	v3 =	vshll.u32 v2, $0x3  }
0x29: {  	v4 =	vshrl.u32 v2, $0x1;
	v5 =	vand.u32 $0xF87F, v2;
	v6 =	vshll.u32 v15, $0x3  }
0x2a: {  	v7 =	vshll.u32 v1, $0x3;
	v8 =	vand.u32 $0xF87F, v14;
	v9 =	vshrl.u32 v15, $0x1  }
0x2b: {  	v10 =	vand.u32 $0xF87F, v15;
	v11 =	vshrl.u32 v2, $0x10;
	v3 =	vand.u32 $0x400, v3  }
0x2c: {  	v12 =	vshrl.u32 v2, $0xD;
	v4 =	vand.u32 $0x380, v4;
	v3 =	vor.u32 v3, v5  }
0x2d: {  	v2 =	vshrl.u32 v2, $0x11;
	v16 =	vshrl.u32 v1, $0x1;
	v3 =	vor.u32 v4, v3  }
0x2e: {  	v13 =	vand.u32 $0xF800, v11;
	v12 =	vand.u32 $0x400, v12;
	v2 =	vand.u32 $0x380, v2  }
0x2f: {  	v5 =	vshll.u32 v14, $0x3;
	v12 =	vor.u32 v12, v13;
	v13 =	vand.u32 $0xF87F, v1  }
0x30: {  	v4 =	vand.u32 $0x400, v5;
	v5 =	vand.u32 $0x400, v6;
	v6 =	vand.u32 $0x400, v7  }
0x31: {  	v11 =	vand.u32 $0x7F, v11;
	v6 =	vor.u32 v6, v13;
	v13 =	vshrl.u32 v15, $0xD  }
0x32: {  	v7 =	vshrl.u32 v14, $0x1;
	v2 =	vor.u32 v2, v12;
	v13 =	vand.u32 $0x400, v13;
	v12 =	vld.idx.msk [tilespmem:v3+s14+$0x0], $0xffff  }
0x33: {  	v3 =	vor.u32 v4, v8;
	v8 =	vor.u32 v11, v2;
	v2 =	vand.u32 $0x380, v7  }
0x34: {  	v4 =	vor.u32 v5, v10;
	v5 =	vand.u32 $0x380, v9;
	v17 =	vor.u32 v2, v3  }
0x35: {  	v10 =	vshrl.u32 v14, $0xD;
	v7 =	vshrl.u32 v15, $0x10;
	v15 =	vshrl.u32 v15, $0x11  }
0x36: {  	s21 =	simm.s32 $0x14A40;
	v2 =	vor.u32 v5, v4;
	v3 =	vand.u32 $0x380, v16;
	v5 =	vshrl.u32 v14, $0x10  }
0x37: {  	v4 =	vshrl.u32 v1, $0x10;
	v11 =	vand.u32 $0x400, v10;
	v16 =	vshrl.u32 v1, $0xD;
	[tilespmem:s21+$0x20] =	vst v12  }
0x38: {  	v14 =	vshrl.u32 v14, $0x11;
	v3 =	vor.u32 v3, v6;
	v9 =	vand.u32 $0xF800, v5;
	v6 =	vld.idx.msk [tilespmem:v8+s14+$0x0], $0xffff  }
0x39: {  	s23 =	simm.s32 $0x60;
	s22 =	simm.s32 $0x0;
	v10 =	vand.u32 $0xF800, v4;
	v16 =	vand.u32 $0x400, v16;
	v12 =	vand.u32 $0xF800, v7;
	v8 =	vld.idx.msk [tilespmem:v17+s14+$0x0], $0xffff  }
.LBB2_3:
0x3a: {  	v17 =	vld [tilespmem:s23+$0x10];
	s22 =	sadd.s32 $0x80, s22;
	v9 =	vor.u32 v11, v9;
	v11 =	vor.u32 v13, v12;
	v12 =	vshrl.u32 v1, $0x11  }
0x3b: {  	v13 =	vand.u32 $0x380, v14;
	v14 =	vand.u32 $0x380, v15;
	v10 =	vor.u32 v16, v10;
	v18 =	vld [tilespmem:s23+$0xFFFFFFF0];
	p0 =	slt.u32 s22, $0x1800  }
0x3c: {  	v9 =	vor.u32 v13, v9;
	v11 =	vor.u32 v14, v11;
	v12 =	vand.u32 $0x380, v12;
	v1 =	vld [tilespmem:s23+$0x0]  }
0x3d: {  	v5 =	vand.u32 $0x7F, v5;
	v7 =	vand.u32 $0x7F, v7;
	v10 =	vor.u32 v12, v10;
	v14 =	vld [tilespmem:s23+$0xFFFFFFE0];
	[tilespmem:s21+$0x30] =	vst v6  }
0x3e: {  	v4 =	vand.u32 $0x7F, v4;
	v5 =	vor.u32 v5, v9;
	v6 =	vor.u32 v7, v11;
	v2 =	vld.idx.msk [tilespmem:v2+s14+$0x0], $0xffff  }
0x3f: {  	v4 =	vor.u32 v4, v10;
	v7 =	vshll.u32 v17, $0x3;
	[tilespmem:s21+$0xFFFFFFC0] =	vst v8;
	v3 =	vld.idx.msk [tilespmem:v3+s14+$0x0], $0xffff  }
0x40: {  	v8 =	vshrl.u32 v17, $0x1;
	v9 =	vand.u32 $0xF87F, v17;
	v7 =	vand.u32 $0x400, v7  }
0x41: {  	v10 =	vshll.u32 v18, $0x3;
	v8 =	vand.u32 $0x380, v8;
	v7 =	vor.u32 v7, v9  }
0x42: {  	v11 =	vshll.u32 v1, $0x3;
	v9 =	vshll.u32 v14, $0x3;
	v7 =	vor.u32 v8, v7  }
0x43: {  	v8 =	vand.u32 $0x400, v9;
	v9 =	vand.u32 $0x400, v10;
	v10 =	vand.u32 $0x400, v11;
	v5 =	vld.idx.msk [tilespmem:v5+s14+$0x0], $0xffff  }
0x44: {  	v13 =	vshrl.u32 v18, $0x1;
	v12 =	vand.u32 $0xF87F, v14;
	v11 =	vshrl.u32 v14, $0x1;
	[tilespmem:s21+$0xFFFFFFE0] =	vst v2  }
0x45: {  	v15 =	vshrl.u32 v17, $0x10;
	v16 =	vshrl.u32 v17, $0xD;
	v2 =	vand.u32 $0xF87F, v18;
	v6 =	vld.idx.msk [tilespmem:v6+s14+$0x0], $0xffff;
	[tilespmem:s21+$0x0] =	vst v3  }
0x46: {  	v17 =	vshrl.u32 v17, $0x11;
	v16 =	vand.u32 $0x400, v16;
	v3 =	vand.u32 $0xF800, v15;
	v4 =	vld.idx.msk [tilespmem:v4+s14+$0x0], $0xffff  }
0x47: {  	v19 =	vshrl.u32 v1, $0x1;
	v3 =	vor.u32 v16, v3;
	v20 =	vld.idx.msk [tilespmem:v7+s14+$0x0], $0xffff;
	v7 =	vand.u32 $0x380, v17  }
0x48: {  	v15 =	vand.u32 $0x7F, v15;
	v16 =	vand.u32 $0xF87F, v1;
	v3 =	vor.u32 v7, v3  }
0x49: {  	v2 =	vor.u32 v9, v2;
	v7 =	vor.u32 v8, v12;
	v8 =	vor.u32 v15, v3;
	[tilespmem:s21+$0xFFFFFFD0] =	vst v5  }
0x4a: {  	v9 =	vor.u32 v10, v16;
	v3 =	vand.u32 $0x380, v11;
	v5 =	vand.u32 $0x380, v13  }
0x4b: {  	v15 =	vor.u32 v3, v7;
	v2 =	vor.u32 v5, v2;
	v3 =	vand.u32 $0x380, v19;
	[tilespmem:s21+$0xFFFFFFF0] =	vst v6  }
.Ltmp0:
0x4c: {  	v5 =	vshrl.u32 v14, $0x10;
	v6 =	vshrl.u32 v14, $0xD;
	v3 =	vor.u32 v3, v9;
	[tilespmem:s21+$0x10] =	vst v4;
	s21 =	sadd.s32 $0x80, s21;
	(pc) =	sbr.rel @p0 .LBB2_3-.Ltmp0, $4  }
0x4d: {  	v10 =	vshrl.u32 v18, $0xD;
	v7 =	vshrl.u32 v18, $0x10;
	v4 =	vshrl.u32 v1, $0x10;
	[tilespmem:s21+$0x20] =	vst v20  }
0x4e: {  	v16 =	vshrl.u32 v1, $0xD;
	v9 =	vand.u32 $0xF800, v5;
	v11 =	vand.u32 $0x400, v6;
	v6 =	vld.idx.msk [tilespmem:v8+s14+$0x0], $0xffff  }
0x4f: {  	v13 =	vand.u32 $0x400, v10;
	v12 =	vand.u32 $0xF800, v7;
	v10 =	vand.u32 $0xF800, v4  }
0x50: {  	s23 =	sadd.s32 $0x40, s23;
	v16 =	vand.u32 $0x400, v16;
	v14 =	vshrl.u32 v14, $0x11;
	v8 =	vld.idx.msk [tilespmem:v15+s14+$0x0], $0xffff;
	v15 =	vshrl.u32 v18, $0x11  }
0x51: {  	_ = 	snop  }
0x52: {  	v9 =	vor.u32 v11, v9;
	v11 =	vor.u32 v13, v12;
	v1 =	vshrl.u32 v1, $0x11  }
0x53: {  	v12 =	vand.u32 $0x380, v14;
	v13 =	vand.u32 $0x380, v15;
	v10 =	vor.u32 v16, v10  }
0x54: {  	v5 =	vand.u32 $0x7F, v5;
	v7 =	vand.u32 $0x7F, v7;
	v9 =	vor.u32 v12, v9  }
0x55: {  	v2 =	vld.idx.msk [tilespmem:v2+s14+$0x0], $0xffff;
	v11 =	vor.u32 v13, v11;
	v1 =	vand.u32 $0x380, v1;
	v5 =	vor.u32 v5, v9  }
0x56: {  	v4 =	vand.u32 $0x7F, v4;
	v3 =	vld.idx.msk [tilespmem:v3+s14+$0x0], $0xffff;
	v1 =	vor.u32 v1, v10;
	v7 =	vor.u32 v7, v11  }
0x57: {  	v1 =	vor.u32 v4, v1;
	_ =	sdelay $0x1  }
0x58: {  	[tilespmem:s21+$0xFFFFFFC0] =	vst v8  }
0x59: {  	[tilespmem:s21+$0xFFFFFFE0] =	vst v2;
	v4 =	vld.idx.msk [tilespmem:v5+s14+$0x0], $0xffff  }
0x5a: {  	s20 =	sshrl.u32 s20, $0x3;
	s19 =	smul.u32 $0x498000, s19;
	[tilespmem:s21+$0x0] =	vst v3;
	v2 =	vld.idx.msk [tilespmem:v7+s14+$0x0], $0xffff  }
0x5b: {  	s20 =	smul.u32 $0x62000, s20;
	v1 =	vld.idx.msk [tilespmem:v1+s14+$0x0], $0xffff  }
0x5c: {  	s22 =	sshll.u32 s18, $0x7  }
0x5d: {  	[tilespmem:s21+$0x30] =	vst v6;
	s19 =	sadd.s32 s19, s20;
	s20 =	sand.u32 $0x380, s22  }
0x5e: {  	s22 =	sor.u32 s20, s19;
	[tilespmem:s21+$0xFFFFFFD0] =	vst v4  }
0x5f: {  	s22 =	sshrl.u32 s22, $0x3;
	[tilespmem:s21+$0xFFFFFFF0] =	vst v2  }
0x60: {  	s30 =	sadd.s32 s3, s22;
	[tilespmem:s21+$0x10] =	vst v1  }
0x61: {  	[hbm4b:s30+s10] =	stream.strided.scatter [tilespmem:s12], [sflag:$0x1], $0x1880, s11, s10, $0x38;
	[tilespmem:$0x17B00] =	vst v63  }
0x62: {  	_ =	swait.ge [sflag:s16], $0x1880  }
0x63: {  	[sflag:s16] =	ssyncset.done $0x0  }
0x64: {  	s31 =	simm.s32 $0xC70;
	[sflag:s16] =	ssyncadd.s32 $0xFFFFE780  }
0x65: {  	v2 =	vld [tilespmem:s31+$0x0]  }
0x66: {  	v15 =	vld [tilespmem:s31+$0xFFFFFFE0]  }
0x67: {  	v1 =	vld [tilespmem:s31+$0xFFFFFFF0]  }
0x68: {  	v14 =	vld [tilespmem:s31+$0xFFFFFFD0];
	_ =	sdelay $0x2  }
0x69: {  	v3 =	vshll.u32 v2, $0x3  }
0x6a: {  	v4 =	vshrl.u32 v2, $0x1;
	v5 =	vand.u32 $0xF87F, v2;
	v6 =	vshll.u32 v15, $0x3  }
0x6b: {  	v7 =	vshll.u32 v1, $0x3;
	v8 =	vand.u32 $0xF87F, v14;
	v9 =	vshrl.u32 v15, $0x1  }
0x6c: {  	v10 =	vand.u32 $0xF87F, v15;
	v11 =	vshrl.u32 v2, $0x10;
	v3 =	vand.u32 $0x400, v3  }
0x6d: {  	v12 =	vshrl.u32 v2, $0xD;
	v4 =	vand.u32 $0x380, v4;
	v3 =	vor.u32 v3, v5  }
0x6e: {  	v2 =	vshrl.u32 v2, $0x11;
	v16 =	vshrl.u32 v1, $0x1;
	v3 =	vor.u32 v4, v3  }
0x6f: {  	v13 =	vand.u32 $0xF800, v11;
	v12 =	vand.u32 $0x400, v12;
	v2 =	vand.u32 $0x380, v2  }
0x70: {  	v5 =	vshll.u32 v14, $0x3;
	v12 =	vor.u32 v12, v13;
	v13 =	vand.u32 $0xF87F, v1  }
0x71: {  	v4 =	vand.u32 $0x400, v5;
	v5 =	vand.u32 $0x400, v6;
	v6 =	vand.u32 $0x400, v7  }
0x72: {  	v11 =	vand.u32 $0x7F, v11;
	v6 =	vor.u32 v6, v13;
	v13 =	vshrl.u32 v15, $0xD  }
0x73: {  	v7 =	vshrl.u32 v14, $0x1;
	v2 =	vor.u32 v2, v12;
	v13 =	vand.u32 $0x400, v13;
	v12 =	vld.idx.msk [tilespmem:v3+s14+$0x0], $0xffff  }
0x74: {  	v3 =	vor.u32 v4, v8;
	v8 =	vor.u32 v11, v2;
	v2 =	vand.u32 $0x380, v7  }
0x75: {  	v4 =	vor.u32 v5, v10;
	v5 =	vand.u32 $0x380, v9;
	v17 =	vor.u32 v2, v3  }
0x76: {  	v10 =	vshrl.u32 v14, $0xD;
	v7 =	vshrl.u32 v15, $0x10;
	v15 =	vshrl.u32 v15, $0x11  }
0x77: {  	s21 =	simm.s32 $0x162C0;
	v2 =	vor.u32 v5, v4;
	v3 =	vand.u32 $0x380, v16;
	v5 =	vshrl.u32 v14, $0x10  }
0x78: {  	v4 =	vshrl.u32 v1, $0x10;
	v11 =	vand.u32 $0x400, v10;
	v16 =	vshrl.u32 v1, $0xD;
	[tilespmem:s21+$0x20] =	vst v12  }
0x79: {  	v14 =	vshrl.u32 v14, $0x11;
	v3 =	vor.u32 v3, v6;
	v9 =	vand.u32 $0xF800, v5;
	v6 =	vld.idx.msk [tilespmem:v8+s14+$0x0], $0xffff  }
0x7a: {  	s23 =	simm.s32 $0xCB0;
	s22 =	simm.s32 $0x0;
	v10 =	vand.u32 $0xF800, v4;
	v16 =	vand.u32 $0x400, v16;
	v12 =	vand.u32 $0xF800, v7;
	v8 =	vld.idx.msk [tilespmem:v17+s14+$0x0], $0xffff  }
.LBB2_5:
0x7b: {  	v17 =	vld [tilespmem:s23+$0x0];
	s22 =	sadd.s32 $0x80, s22;
	v9 =	vor.u32 v11, v9;
	v11 =	vor.u32 v13, v12;
	v12 =	vshrl.u32 v1, $0x11  }
0x7c: {  	v13 =	vand.u32 $0x380, v14;
	v14 =	vand.u32 $0x380, v15;
	v10 =	vor.u32 v16, v10;
	v18 =	vld [tilespmem:s23+$0xFFFFFFE0];
	p0 =	slt.u32 s22, $0x1800  }
0x7d: {  	v9 =	vor.u32 v13, v9;
	v11 =	vor.u32 v14, v11;
	v12 =	vand.u32 $0x380, v12;
	v1 =	vld [tilespmem:s23+$0xFFFFFFF0]  }
0x7e: {  	v5 =	vand.u32 $0x7F, v5;
	v7 =	vand.u32 $0x7F, v7;
	v10 =	vor.u32 v12, v10;
	v14 =	vld [tilespmem:s23+$0xFFFFFFD0];
	[tilespmem:s21+$0x30] =	vst v6  }
0x7f: {  	v4 =	vand.u32 $0x7F, v4;
	v5 =	vor.u32 v5, v9;
	v6 =	vor.u32 v7, v11;
	v2 =	vld.idx.msk [tilespmem:v2+s14+$0x0], $0xffff  }
0x80: {  	v4 =	vor.u32 v4, v10;
	v7 =	vshll.u32 v17, $0x3;
	[tilespmem:s21+$0xFFFFFFC0] =	vst v8;
	v3 =	vld.idx.msk [tilespmem:v3+s14+$0x0], $0xffff  }
0x81: {  	v8 =	vshrl.u32 v17, $0x1;
	v9 =	vand.u32 $0xF87F, v17;
	v7 =	vand.u32 $0x400, v7  }
0x82: {  	v10 =	vshll.u32 v18, $0x3;
	v8 =	vand.u32 $0x380, v8;
	v7 =	vor.u32 v7, v9  }
0x83: {  	v11 =	vshll.u32 v1, $0x3;
	v9 =	vshll.u32 v14, $0x3;
	v7 =	vor.u32 v8, v7  }
0x84: {  	v8 =	vand.u32 $0x400, v9;
	v9 =	vand.u32 $0x400, v10;
	v10 =	vand.u32 $0x400, v11;
	v5 =	vld.idx.msk [tilespmem:v5+s14+$0x0], $0xffff  }
0x85: {  	v13 =	vshrl.u32 v18, $0x1;
	v12 =	vand.u32 $0xF87F, v14;
	v11 =	vshrl.u32 v14, $0x1;
	[tilespmem:s21+$0xFFFFFFE0] =	vst v2  }
0x86: {  	v15 =	vshrl.u32 v17, $0x10;
	v16 =	vshrl.u32 v17, $0xD;
	v2 =	vand.u32 $0xF87F, v18;
	v6 =	vld.idx.msk [tilespmem:v6+s14+$0x0], $0xffff;
	[tilespmem:s21+$0x0] =	vst v3  }
0x87: {  	v17 =	vshrl.u32 v17, $0x11;
	v16 =	vand.u32 $0x400, v16;
	v3 =	vand.u32 $0xF800, v15;
	v4 =	vld.idx.msk [tilespmem:v4+s14+$0x0], $0xffff  }
0x88: {  	v19 =	vshrl.u32 v1, $0x1;
	v3 =	vor.u32 v16, v3;
	v20 =	vld.idx.msk [tilespmem:v7+s14+$0x0], $0xffff;
	v7 =	vand.u32 $0x380, v17  }
0x89: {  	v15 =	vand.u32 $0x7F, v15;
	v16 =	vand.u32 $0xF87F, v1;
	v3 =	vor.u32 v7, v3  }
0x8a: {  	v2 =	vor.u32 v9, v2;
	v7 =	vor.u32 v8, v12;
	v8 =	vor.u32 v15, v3;
	[tilespmem:s21+$0xFFFFFFD0] =	vst v5  }
0x8b: {  	v9 =	vor.u32 v10, v16;
	v3 =	vand.u32 $0x380, v11;
	v5 =	vand.u32 $0x380, v13  }
0x8c: {  	v15 =	vor.u32 v3, v7;
	v2 =	vor.u32 v5, v2;
	v3 =	vand.u32 $0x380, v19;
	[tilespmem:s21+$0xFFFFFFF0] =	vst v6  }
.Ltmp1:
0x8d: {  	v5 =	vshrl.u32 v14, $0x10;
	v6 =	vshrl.u32 v14, $0xD;
	v3 =	vor.u32 v3, v9;
	[tilespmem:s21+$0x10] =	vst v4;
	s21 =	sadd.s32 $0x80, s21;
	(pc) =	sbr.rel @p0 .LBB2_5-.Ltmp1, $4  }
0x8e: {  	v10 =	vshrl.u32 v18, $0xD;
	v7 =	vshrl.u32 v18, $0x10;
	v4 =	vshrl.u32 v1, $0x10;
	[tilespmem:s21+$0x20] =	vst v20  }
0x8f: {  	v16 =	vshrl.u32 v1, $0xD;
	v9 =	vand.u32 $0xF800, v5;
	v11 =	vand.u32 $0x400, v6;
	v6 =	vld.idx.msk [tilespmem:v8+s14+$0x0], $0xffff  }
0x90: {  	v13 =	vand.u32 $0x400, v10;
	v12 =	vand.u32 $0xF800, v7;
	v10 =	vand.u32 $0xF800, v4  }
0x91: {  	s23 =	sadd.s32 $0x40, s23;
	v16 =	vand.u32 $0x400, v16;
	v14 =	vshrl.u32 v14, $0x11;
	v8 =	vld.idx.msk [tilespmem:v15+s14+$0x0], $0xffff;
	v15 =	vshrl.u32 v18, $0x11  }
0x92: {  	_ = 	snop  }
0x93: {  	v9 =	vor.u32 v11, v9;
	v11 =	vor.u32 v13, v12;
	v1 =	vshrl.u32 v1, $0x11  }
0x94: {  	v12 =	vand.u32 $0x380, v14;
	v13 =	vand.u32 $0x380, v15;
	v10 =	vor.u32 v16, v10  }
0x95: {  	v5 =	vand.u32 $0x7F, v5;
	v7 =	vand.u32 $0x7F, v7;
	v9 =	vor.u32 v12, v9  }
0x96: {  	v2 =	vld.idx.msk [tilespmem:v2+s14+$0x0], $0xffff;
	v11 =	vor.u32 v13, v11;
	v1 =	vand.u32 $0x380, v1;
	v5 =	vor.u32 v5, v9  }
0x97: {  	v4 =	vand.u32 $0x7F, v4;
	v3 =	vld.idx.msk [tilespmem:v3+s14+$0x0], $0xffff;
	v1 =	vor.u32 v1, v10;
	v7 =	vor.u32 v7, v11  }
0x98: {  	v1 =	vor.u32 v4, v1;
	_ =	sdelay $0x1  }
0x99: {  	[tilespmem:s21+$0xFFFFFFC0] =	vst v8  }
0x9a: {  	[tilespmem:s21+$0xFFFFFFE0] =	vst v2;
	v4 =	vld.idx.msk [tilespmem:v5+s14+$0x0], $0xffff  }
0x9b: {  	[tilespmem:s21+$0x0] =	vst v3;
	v2 =	vld.idx.msk [tilespmem:v7+s14+$0x0], $0xffff  }
0x9c: {  	v1 =	vld.idx.msk [tilespmem:v1+s14+$0x0], $0xffff;
	_ =	sdelay $0x1  }
0x9d: {  	s19 =	sadd.s32 s20, s19;
	[tilespmem:s21+$0x30] =	vst v6  }
0x9e: {  	s20 =	sadd.s32 $0xC400, s19;
	[tilespmem:s21+$0xFFFFFFD0] =	vst v4  }
0x9f: {  	s20 =	sshrl.u32 s20, $0x3;
	[tilespmem:s21+$0xFFFFFFF0] =	vst v2  }
0xa0: {  	s20 =	sadd.s32 s3, s20;
	[tilespmem:s21+$0x10] =	vst v1  }
0xa1: {  	[hbm4b:s20+s10] =	stream.strided.scatter [tilespmem:s13], [sflag:$0x2], $0x1880, s11, s10, $0x38;
	[tilespmem:$0x17B00] =	vst v63  }
0xa2: {  	_ =	swait.ge [sflag:s15], $0x1880  }
0xa3: {  	[sflag:s15] =	ssyncset.done $0x0  }
0xa4: {  	s31 =	simm.s32 $0x18B0;
	[sflag:s15] =	ssyncadd.s32 $0xFFFFE780  }
0xa5: {  	v2 =	vld [tilespmem:s31+$0x0]  }
0xa6: {  	v15 =	vld [tilespmem:s31+$0xFFFFFFE0]  }
0xa7: {  	v1 =	vld [tilespmem:s31+$0xFFFFFFF0]  }
0xa8: {  	v14 =	vld [tilespmem:s31+$0xFFFFFFD0];
	_ =	sdelay $0x2  }
0xa9: {  	v3 =	vshll.u32 v2, $0x3  }
0xaa: {  	v4 =	vshrl.u32 v2, $0x1;
	v5 =	vand.u32 $0xF87F, v2;
	v6 =	vshll.u32 v15, $0x3  }
0xab: {  	v7 =	vshll.u32 v1, $0x3;
	v8 =	vand.u32 $0xF87F, v14;
	v9 =	vshrl.u32 v15, $0x1  }
0xac: {  	v10 =	vand.u32 $0xF87F, v15;
	v11 =	vshrl.u32 v2, $0x10;
	v3 =	vand.u32 $0x400, v3  }
0xad: {  	v12 =	vshrl.u32 v2, $0xD;
	v4 =	vand.u32 $0x380, v4;
	v3 =	vor.u32 v3, v5  }
0xae: {  	v2 =	vshrl.u32 v2, $0x11;
	v16 =	vshrl.u32 v1, $0x1;
	v3 =	vor.u32 v4, v3  }
0xaf: {  	v13 =	vand.u32 $0xF800, v11;
	v12 =	vand.u32 $0x400, v12;
	v2 =	vand.u32 $0x380, v2  }
0xb0: {  	v5 =	vshll.u32 v14, $0x3;
	v12 =	vor.u32 v12, v13;
	v13 =	vand.u32 $0xF87F, v1  }
0xb1: {  	v4 =	vand.u32 $0x400, v5;
	v5 =	vand.u32 $0x400, v6;
	v6 =	vand.u32 $0x400, v7  }
0xb2: {  	v11 =	vand.u32 $0x7F, v11;
	v6 =	vor.u32 v6, v13;
	v13 =	vshrl.u32 v15, $0xD  }
0xb3: {  	v7 =	vshrl.u32 v14, $0x1;
	v2 =	vor.u32 v2, v12;
	v13 =	vand.u32 $0x400, v13;
	v12 =	vld.idx.msk [tilespmem:v3+s14+$0x0], $0xffff  }
0xb4: {  	v3 =	vor.u32 v4, v8;
	v8 =	vor.u32 v11, v2;
	v2 =	vand.u32 $0x380, v7  }
0xb5: {  	v4 =	vor.u32 v5, v10;
	v5 =	vand.u32 $0x380, v9;
	v17 =	vor.u32 v2, v3  }
0xb6: {  	v10 =	vshrl.u32 v14, $0xD;
	v7 =	vshrl.u32 v15, $0x10;
	v15 =	vshrl.u32 v15, $0x11  }
0xb7: {  	s20 =	simm.s32 $0x14A40;
	v2 =	vor.u32 v5, v4;
	v3 =	vand.u32 $0x380, v16;
	v5 =	vshrl.u32 v14, $0x10  }
0xb8: {  	v4 =	vshrl.u32 v1, $0x10;
	v11 =	vand.u32 $0x400, v10;
	v16 =	vshrl.u32 v1, $0xD;
	[tilespmem:s20+$0x20] =	vst v12  }
0xb9: {  	v14 =	vshrl.u32 v14, $0x11;
	v3 =	vor.u32 v3, v6;
	v9 =	vand.u32 $0xF800, v5;
	v6 =	vld.idx.msk [tilespmem:v8+s14+$0x0], $0xffff  }
0xba: {  	s22 =	simm.s32 $0x18F0;
	s21 =	simm.s32 $0x0;
	v10 =	vand.u32 $0xF800, v4;
	v16 =	vand.u32 $0x400, v16;
	v12 =	vand.u32 $0xF800, v7;
	v8 =	vld.idx.msk [tilespmem:v17+s14+$0x0], $0xffff  }
.LBB2_7:
0xbb: {  	v17 =	vld [tilespmem:s22+$0x0];
	s21 =	sadd.s32 $0x80, s21;
	v9 =	vor.u32 v11, v9;
	v11 =	vor.u32 v13, v12;
	v12 =	vshrl.u32 v1, $0x11  }
0xbc: {  	v13 =	vand.u32 $0x380, v14;
	v14 =	vand.u32 $0x380, v15;
	v10 =	vor.u32 v16, v10;
	v18 =	vld [tilespmem:s22+$0xFFFFFFE0];
	p0 =	slt.u32 s21, $0x1800  }
0xbd: {  	v9 =	vor.u32 v13, v9;
	v11 =	vor.u32 v14, v11;
	v12 =	vand.u32 $0x380, v12;
	v1 =	vld [tilespmem:s22+$0xFFFFFFF0]  }
0xbe: {  	v5 =	vand.u32 $0x7F, v5;
	v7 =	vand.u32 $0x7F, v7;
	v10 =	vor.u32 v12, v10;
	v14 =	vld [tilespmem:s22+$0xFFFFFFD0];
	[tilespmem:s20+$0x30] =	vst v6  }
0xbf: {  	v4 =	vand.u32 $0x7F, v4;
	v5 =	vor.u32 v5, v9;
	v6 =	vor.u32 v7, v11;
	v2 =	vld.idx.msk [tilespmem:v2+s14+$0x0], $0xffff  }
0xc0: {  	v4 =	vor.u32 v4, v10;
	v7 =	vshll.u32 v17, $0x3;
	[tilespmem:s20+$0xFFFFFFC0] =	vst v8;
	v3 =	vld.idx.msk [tilespmem:v3+s14+$0x0], $0xffff  }
0xc1: {  	v8 =	vshrl.u32 v17, $0x1;
	v9 =	vand.u32 $0xF87F, v17;
	v7 =	vand.u32 $0x400, v7  }
0xc2: {  	v10 =	vshll.u32 v18, $0x3;
	v8 =	vand.u32 $0x380, v8;
	v7 =	vor.u32 v7, v9  }
0xc3: {  	v11 =	vshll.u32 v1, $0x3;
	v9 =	vshll.u32 v14, $0x3;
	v7 =	vor.u32 v8, v7  }
0xc4: {  	v8 =	vand.u32 $0x400, v9;
	v9 =	vand.u32 $0x400, v10;
	v10 =	vand.u32 $0x400, v11;
	v5 =	vld.idx.msk [tilespmem:v5+s14+$0x0], $0xffff  }
0xc5: {  	v13 =	vshrl.u32 v18, $0x1;
	v12 =	vand.u32 $0xF87F, v14;
	v11 =	vshrl.u32 v14, $0x1;
	[tilespmem:s20+$0xFFFFFFE0] =	vst v2  }
0xc6: {  	v15 =	vshrl.u32 v17, $0x10;
	v16 =	vshrl.u32 v17, $0xD;
	v2 =	vand.u32 $0xF87F, v18;
	v6 =	vld.idx.msk [tilespmem:v6+s14+$0x0], $0xffff;
	[tilespmem:s20+$0x0] =	vst v3  }
0xc7: {  	v17 =	vshrl.u32 v17, $0x11;
	v16 =	vand.u32 $0x400, v16;
	v3 =	vand.u32 $0xF800, v15;
	v4 =	vld.idx.msk [tilespmem:v4+s14+$0x0], $0xffff  }
0xc8: {  	v19 =	vshrl.u32 v1, $0x1;
	v3 =	vor.u32 v16, v3;
	v20 =	vld.idx.msk [tilespmem:v7+s14+$0x0], $0xffff;
	v7 =	vand.u32 $0x380, v17  }
0xc9: {  	v15 =	vand.u32 $0x7F, v15;
	v16 =	vand.u32 $0xF87F, v1;
	v3 =	vor.u32 v7, v3  }
0xca: {  	v2 =	vor.u32 v9, v2;
	v7 =	vor.u32 v8, v12;
	v8 =	vor.u32 v15, v3;
	[tilespmem:s20+$0xFFFFFFD0] =	vst v5  }
0xcb: {  	v9 =	vor.u32 v10, v16;
	v3 =	vand.u32 $0x380, v11;
	v5 =	vand.u32 $0x380, v13  }
0xcc: {  	v15 =	vor.u32 v3, v7;
	v2 =	vor.u32 v5, v2;
	v3 =	vand.u32 $0x380, v19;
	[tilespmem:s20+$0xFFFFFFF0] =	vst v6  }
.Ltmp2:
0xcd: {  	v5 =	vshrl.u32 v14, $0x10;
	v6 =	vshrl.u32 v14, $0xD;
	v3 =	vor.u32 v3, v9;
	[tilespmem:s20+$0x10] =	vst v4;
	s20 =	sadd.s32 $0x80, s20;
	(pc) =	sbr.rel @p0 .LBB2_7-.Ltmp2, $4  }
0xce: {  	v10 =	vshrl.u32 v18, $0xD;
	v7 =	vshrl.u32 v18, $0x10;
	v4 =	vshrl.u32 v1, $0x10;
	[tilespmem:s20+$0x20] =	vst v20  }
0xcf: {  	v16 =	vshrl.u32 v1, $0xD;
	v9 =	vand.u32 $0xF800, v5;
	v11 =	vand.u32 $0x400, v6;
	v6 =	vld.idx.msk [tilespmem:v8+s14+$0x0], $0xffff  }
0xd0: {  	v13 =	vand.u32 $0x400, v10;
	v12 =	vand.u32 $0xF800, v7;
	v10 =	vand.u32 $0xF800, v4  }
0xd1: {  	s22 =	sadd.s32 $0x40, s22;
	v16 =	vand.u32 $0x400, v16;
	v14 =	vshrl.u32 v14, $0x11;
	v8 =	vld.idx.msk [tilespmem:v15+s14+$0x0], $0xffff;
	v15 =	vshrl.u32 v18, $0x11  }
0xd2: {  	_ = 	snop  }
0xd3: {  	v9 =	vor.u32 v11, v9;
	v11 =	vor.u32 v13, v12;
	v1 =	vshrl.u32 v1, $0x11  }
0xd4: {  	v12 =	vand.u32 $0x380, v14;
	v13 =	vand.u32 $0x380, v15;
	v10 =	vor.u32 v16, v10  }
0xd5: {  	v5 =	vand.u32 $0x7F, v5;
	v7 =	vand.u32 $0x7F, v7;
	v9 =	vor.u32 v12, v9  }
0xd6: {  	v2 =	vld.idx.msk [tilespmem:v2+s14+$0x0], $0xffff;
	v11 =	vor.u32 v13, v11;
	v1 =	vand.u32 $0x380, v1;
	v5 =	vor.u32 v5, v9  }
0xd7: {  	v4 =	vand.u32 $0x7F, v4;
	v3 =	vld.idx.msk [tilespmem:v3+s14+$0x0], $0xffff;
	v1 =	vor.u32 v1, v10;
	v7 =	vor.u32 v7, v11  }
0xd8: {  	v1 =	vor.u32 v4, v1;
	_ =	sdelay $0x1  }
0xd9: {  	[tilespmem:s20+$0xFFFFFFC0] =	vst v8  }
0xda: {  	[tilespmem:s20+$0xFFFFFFE0] =	vst v2;
	v4 =	vld.idx.msk [tilespmem:v5+s14+$0x0], $0xffff  }
0xdb: {  	[tilespmem:s20+$0x0] =	vst v3;
	v2 =	vld.idx.msk [tilespmem:v7+s14+$0x0], $0xffff  }
0xdc: {  	v1 =	vld.idx.msk [tilespmem:v1+s14+$0x0], $0xffff;
	_ =	sdelay $0x1  }
0xdd: {  	[tilespmem:s20+$0x30] =	vst v6  }
0xde: {  	s21 =	sadd.s32 $0x18800, s19;
	[tilespmem:s20+$0xFFFFFFD0] =	vst v4  }
0xdf: {  	s21 =	sshrl.u32 s21, $0x3;
	[tilespmem:s20+$0xFFFFFFF0] =	vst v2  }
0xe0: {  	s30 =	sadd.s32 s3, s21;
	[tilespmem:s20+$0x10] =	vst v1  }
0xe1: {  	[hbm4b:s30+s10] =	stream.strided.scatter [tilespmem:s12], [sflag:$0x1], $0x1880, s11, s10, $0x38;
	[tilespmem:$0x17B00] =	vst v63  }
0xe2: {  	_ =	swait.ge [sflag:s16], $0x1880  }
0xe3: {  	[sflag:s16] =	ssyncset.done $0x0  }
0xe4: {  	s31 =	simm.s32 $0x24F0;
	[sflag:s16] =	ssyncadd.s32 $0xFFFFE780  }
0xe5: {  	v2 =	vld [tilespmem:s31+$0x0]  }
0xe6: {  	v15 =	vld [tilespmem:s31+$0xFFFFFFE0]  }
0xe7: {  	v1 =	vld [tilespmem:s31+$0xFFFFFFF0]  }
0xe8: {  	v14 =	vld [tilespmem:s31+$0xFFFFFFD0];
	_ =	sdelay $0x2  }
0xe9: {  	v3 =	vshll.u32 v2, $0x3  }
0xea: {  	v4 =	vshrl.u32 v2, $0x1;
	v5 =	vand.u32 $0xF87F, v2;
	v6 =	vshll.u32 v15, $0x3  }
0xeb: {  	v7 =	vshll.u32 v1, $0x3;
	v8 =	vand.u32 $0xF87F, v14;
	v9 =	vshrl.u32 v15, $0x1  }
0xec: {  	v10 =	vand.u32 $0xF87F, v15;
	v11 =	vshrl.u32 v2, $0x10;
	v3 =	vand.u32 $0x400, v3  }
0xed: {  	v12 =	vshrl.u32 v2, $0xD;
	v4 =	vand.u32 $0x380, v4;
	v3 =	vor.u32 v3, v5  }
0xee: {  	v2 =	vshrl.u32 v2, $0x11;
	v16 =	vshrl.u32 v1, $0x1;
	v3 =	vor.u32 v4, v3  }
0xef: {  	v13 =	vand.u32 $0xF800, v11;
	v12 =	vand.u32 $0x400, v12;
	v2 =	vand.u32 $0x380, v2  }
0xf0: {  	v5 =	vshll.u32 v14, $0x3;
	v12 =	vor.u32 v12, v13;
	v13 =	vand.u32 $0xF87F, v1  }
0xf1: {  	v4 =	vand.u32 $0x400, v5;
	v5 =	vand.u32 $0x400, v6;
	v6 =	vand.u32 $0x400, v7  }
0xf2: {  	v11 =	vand.u32 $0x7F, v11;
	v6 =	vor.u32 v6, v13;
	v13 =	vshrl.u32 v15, $0xD  }
0xf3: {  	v7 =	vshrl.u32 v14, $0x1;
	v2 =	vor.u32 v2, v12;
	v13 =	vand.u32 $0x400, v13;
	v12 =	vld.idx.msk [tilespmem:v3+s14+$0x0], $0xffff  }
0xf4: {  	v3 =	vor.u32 v4, v8;
	v8 =	vor.u32 v11, v2;
	v2 =	vand.u32 $0x380, v7  }
0xf5: {  	v4 =	vor.u32 v5, v10;
	v5 =	vand.u32 $0x380, v9;
	v17 =	vor.u32 v2, v3  }
0xf6: {  	v10 =	vshrl.u32 v14, $0xD;
	v7 =	vshrl.u32 v15, $0x10;
	v15 =	vshrl.u32 v15, $0x11  }
0xf7: {  	s20 =	simm.s32 $0x162C0;
	v2 =	vor.u32 v5, v4;
	v3 =	vand.u32 $0x380, v16;
	v5 =	vshrl.u32 v14, $0x10  }
0xf8: {  	v4 =	vshrl.u32 v1, $0x10;
	v11 =	vand.u32 $0x400, v10;
	v16 =	vshrl.u32 v1, $0xD;
	[tilespmem:s20+$0x20] =	vst v12  }
0xf9: {  	v14 =	vshrl.u32 v14, $0x11;
	v3 =	vor.u32 v3, v6;
	v9 =	vand.u32 $0xF800, v5;
	v6 =	vld.idx.msk [tilespmem:v8+s14+$0x0], $0xffff  }
0xfa: {  	s22 =	simm.s32 $0x2530;
	s21 =	simm.s32 $0x0;
	v10 =	vand.u32 $0xF800, v4;
	v16 =	vand.u32 $0x400, v16;
	v12 =	vand.u32 $0xF800, v7;
	v8 =	vld.idx.msk [tilespmem:v17+s14+$0x0], $0xffff  }
.LBB2_9:
0xfb: {  	v17 =	vld [tilespmem:s22+$0x0];
	s21 =	sadd.s32 $0x80, s21;
	v9 =	vor.u32 v11, v9;
	v11 =	vor.u32 v13, v12;
	v12 =	vshrl.u32 v1, $0x11  }
0xfc: {  	v13 =	vand.u32 $0x380, v14;
	v14 =	vand.u32 $0x380, v15;
	v10 =	vor.u32 v16, v10;
	v18 =	vld [tilespmem:s22+$0xFFFFFFE0];
	p0 =	slt.u32 s21, $0x1800  }
0xfd: {  	v9 =	vor.u32 v13, v9;
	v11 =	vor.u32 v14, v11;
	v12 =	vand.u32 $0x380, v12;
	v1 =	vld [tilespmem:s22+$0xFFFFFFF0]  }
0xfe: {  	v5 =	vand.u32 $0x7F, v5;
	v7 =	vand.u32 $0x7F, v7;
	v10 =	vor.u32 v12, v10;
	v14 =	vld [tilespmem:s22+$0xFFFFFFD0];
	[tilespmem:s20+$0x30] =	vst v6  }
0xff: {  	v4 =	vand.u32 $0x7F, v4;
	v5 =	vor.u32 v5, v9;
	v6 =	vor.u32 v7, v11;
	v2 =	vld.idx.msk [tilespmem:v2+s14+$0x0], $0xffff  }
0x100: {  	v4 =	vor.u32 v4, v10;
	v7 =	vshll.u32 v17, $0x3;
	[tilespmem:s20+$0xFFFFFFC0] =	vst v8;
	v3 =	vld.idx.msk [tilespmem:v3+s14+$0x0], $0xffff  }
0x101: {  	v8 =	vshrl.u32 v17, $0x1;
	v9 =	vand.u32 $0xF87F, v17;
	v7 =	vand.u32 $0x400, v7  }
0x102: {  	v10 =	vshll.u32 v18, $0x3;
	v8 =	vand.u32 $0x380, v8;
	v7 =	vor.u32 v7, v9  }
0x103: {  	v11 =	vshll.u32 v1, $0x3;
	v9 =	vshll.u32 v14, $0x3;
	v7 =	vor.u32 v8, v7  }
0x104: {  	v8 =	vand.u32 $0x400, v9;
	v9 =	vand.u32 $0x400, v10;
	v10 =	vand.u32 $0x400, v11;
	v5 =	vld.idx.msk [tilespmem:v5+s14+$0x0], $0xffff  }
0x105: {  	v13 =	vshrl.u32 v18, $0x1;
	v12 =	vand.u32 $0xF87F, v14;
	v11 =	vshrl.u32 v14, $0x1;
	[tilespmem:s20+$0xFFFFFFE0] =	vst v2  }
0x106: {  	v15 =	vshrl.u32 v17, $0x10;
	v16 =	vshrl.u32 v17, $0xD;
	v2 =	vand.u32 $0xF87F, v18;
	v6 =	vld.idx.msk [tilespmem:v6+s14+$0x0], $0xffff;
	[tilespmem:s20+$0x0] =	vst v3  }
0x107: {  	v17 =	vshrl.u32 v17, $0x11;
	v16 =	vand.u32 $0x400, v16;
	v3 =	vand.u32 $0xF800, v15;
	v4 =	vld.idx.msk [tilespmem:v4+s14+$0x0], $0xffff  }
0x108: {  	v19 =	vshrl.u32 v1, $0x1;
	v3 =	vor.u32 v16, v3;
	v20 =	vld.idx.msk [tilespmem:v7+s14+$0x0], $0xffff;
	v7 =	vand.u32 $0x380, v17  }
0x109: {  	v15 =	vand.u32 $0x7F, v15;
	v16 =	vand.u32 $0xF87F, v1;
	v3 =	vor.u32 v7, v3  }
0x10a: {  	v2 =	vor.u32 v9, v2;
	v7 =	vor.u32 v8, v12;
	v8 =	vor.u32 v15, v3;
	[tilespmem:s20+$0xFFFFFFD0] =	vst v5  }
0x10b: {  	v9 =	vor.u32 v10, v16;
	v3 =	vand.u32 $0x380, v11;
	v5 =	vand.u32 $0x380, v13  }
0x10c: {  	v15 =	vor.u32 v3, v7;
	v2 =	vor.u32 v5, v2;
	v3 =	vand.u32 $0x380, v19;
	[tilespmem:s20+$0xFFFFFFF0] =	vst v6  }
.Ltmp3:
0x10d: {  	v5 =	vshrl.u32 v14, $0x10;
	v6 =	vshrl.u32 v14, $0xD;
	v3 =	vor.u32 v3, v9;
	[tilespmem:s20+$0x10] =	vst v4;
	s20 =	sadd.s32 $0x80, s20;
	(pc) =	sbr.rel @p0 .LBB2_9-.Ltmp3, $4  }
0x10e: {  	v10 =	vshrl.u32 v18, $0xD;
	v7 =	vshrl.u32 v18, $0x10;
	v4 =	vshrl.u32 v1, $0x10;
	[tilespmem:s20+$0x20] =	vst v20  }
0x10f: {  	v16 =	vshrl.u32 v1, $0xD;
	v9 =	vand.u32 $0xF800, v5;
	v11 =	vand.u32 $0x400, v6;
	v6 =	vld.idx.msk [tilespmem:v8+s14+$0x0], $0xffff  }
0x110: {  	v13 =	vand.u32 $0x400, v10;
	v12 =	vand.u32 $0xF800, v7;
	v10 =	vand.u32 $0xF800, v4  }
0x111: {  	s22 =	sadd.s32 $0x40, s22;
	v16 =	vand.u32 $0x400, v16;
	v14 =	vshrl.u32 v14, $0x11;
	v8 =	vld.idx.msk [tilespmem:v15+s14+$0x0], $0xffff;
	v15 =	vshrl.u32 v18, $0x11  }
0x112: {  	_ = 	snop  }
0x113: {  	v9 =	vor.u32 v11, v9;
	v11 =	vor.u32 v13, v12;
	v1 =	vshrl.u32 v1, $0x11  }
0x114: {  	v12 =	vand.u32 $0x380, v14;
	v13 =	vand.u32 $0x380, v15;
	v10 =	vor.u32 v16, v10  }
0x115: {  	v5 =	vand.u32 $0x7F, v5;
	v7 =	vand.u32 $0x7F, v7;
	v9 =	vor.u32 v12, v9  }
0x116: {  	v2 =	vld.idx.msk [tilespmem:v2+s14+$0x0], $0xffff;
	v11 =	vor.u32 v13, v11;
	v1 =	vand.u32 $0x380, v1;
	v5 =	vor.u32 v5, v9  }
0x117: {  	v4 =	vand.u32 $0x7F, v4;
	v3 =	vld.idx.msk [tilespmem:v3+s14+$0x0], $0xffff;
	v1 =	vor.u32 v1, v10;
	v7 =	vor.u32 v7, v11  }
0x118: {  	v1 =	vor.u32 v4, v1;
	_ =	sdelay $0x1  }
0x119: {  	[tilespmem:s20+$0xFFFFFFC0] =	vst v8  }
0x11a: {  	[tilespmem:s20+$0xFFFFFFE0] =	vst v2;
	v4 =	vld.idx.msk [tilespmem:v5+s14+$0x0], $0xffff  }
0x11b: {  	[tilespmem:s20+$0x0] =	vst v3;
	v2 =	vld.idx.msk [tilespmem:v7+s14+$0x0], $0xffff  }
0x11c: {  	v1 =	vld.idx.msk [tilespmem:v1+s14+$0x0], $0xffff;
	_ =	sdelay $0x1  }
0x11d: {  	[tilespmem:s20+$0x30] =	vst v6  }
0x11e: {  	s21 =	sadd.s32 $0x24C00, s19;
	[tilespmem:s20+$0xFFFFFFD0] =	vst v4  }
0x11f: {  	s21 =	sshrl.u32 s21, $0x3;
	[tilespmem:s20+$0xFFFFFFF0] =	vst v2  }
0x120: {  	s30 =	sadd.s32 s3, s21;
	[tilespmem:s20+$0x10] =	vst v1  }
0x121: {  	[hbm4b:s30+s10] =	stream.strided.scatter [tilespmem:s13], [sflag:$0x2], $0x1880, s11, s10, $0x38;
	[tilespmem:$0x17B00] =	vst v63  }
0x122: {  	_ =	swait.ge [sflag:s15], $0x1880  }
0x123: {  	[sflag:s15] =	ssyncset.done $0x0  }
0x124: {  	s31 =	simm.s32 $0x3130;
	[sflag:s15] =	ssyncadd.s32 $0xFFFFE780  }
0x125: {  	v2 =	vld [tilespmem:s31+$0x0]  }
0x126: {  	v15 =	vld [tilespmem:s31+$0xFFFFFFE0]  }
0x127: {  	v1 =	vld [tilespmem:s31+$0xFFFFFFF0]  }
0x128: {  	v14 =	vld [tilespmem:s31+$0xFFFFFFD0];
	_ =	sdelay $0x2  }
0x129: {  	v3 =	vshll.u32 v2, $0x3  }
0x12a: {  	v4 =	vshrl.u32 v2, $0x1;
	v5 =	vand.u32 $0xF87F, v2;
	v6 =	vshll.u32 v15, $0x3  }
0x12b: {  	v7 =	vshll.u32 v1, $0x3;
	v8 =	vand.u32 $0xF87F, v14;
	v9 =	vshrl.u32 v15, $0x1  }
0x12c: {  	v10 =	vand.u32 $0xF87F, v15;
	v11 =	vshrl.u32 v2, $0x10;
	v3 =	vand.u32 $0x400, v3  }
0x12d: {  	v12 =	vshrl.u32 v2, $0xD;
	v4 =	vand.u32 $0x380, v4;
	v3 =	vor.u32 v3, v5  }
0x12e: {  	v2 =	vshrl.u32 v2, $0x11;
	v16 =	vshrl.u32 v1, $0x1;
	v3 =	vor.u32 v4, v3  }
0x12f: {  	v13 =	vand.u32 $0xF800, v11;
	v12 =	vand.u32 $0x400, v12;
	v2 =	vand.u32 $0x380, v2  }
0x130: {  	v5 =	vshll.u32 v14, $0x3;
	v12 =	vor.u32 v12, v13;
	v13 =	vand.u32 $0xF87F, v1  }
0x131: {  	v4 =	vand.u32 $0x400, v5;
	v5 =	vand.u32 $0x400, v6;
	v6 =	vand.u32 $0x400, v7  }
0x132: {  	v11 =	vand.u32 $0x7F, v11;
	v6 =	vor.u32 v6, v13;
	v13 =	vshrl.u32 v15, $0xD  }
0x133: {  	v7 =	vshrl.u32 v14, $0x1;
	v2 =	vor.u32 v2, v12;
	v13 =	vand.u32 $0x400, v13;
	v12 =	vld.idx.msk [tilespmem:v3+s14+$0x0], $0xffff  }
0x134: {  	v3 =	vor.u32 v4, v8;
	v8 =	vor.u32 v11, v2;
	v2 =	vand.u32 $0x380, v7  }
0x135: {  	v4 =	vor.u32 v5, v10;
	v5 =	vand.u32 $0x380, v9;
	v17 =	vor.u32 v2, v3  }
0x136: {  	v10 =	vshrl.u32 v14, $0xD;
	v7 =	vshrl.u32 v15, $0x10;
	v15 =	vshrl.u32 v15, $0x11  }
0x137: {  	s20 =	simm.s32 $0x14A40;
	v2 =	vor.u32 v5, v4;
	v3 =	vand.u32 $0x380, v16;
	v5 =	vshrl.u32 v14, $0x10  }
0x138: {  	v4 =	vshrl.u32 v1, $0x10;
	v11 =	vand.u32 $0x400, v10;
	v16 =	vshrl.u32 v1, $0xD;
	[tilespmem:s20+$0x20] =	vst v12  }
0x139: {  	v14 =	vshrl.u32 v14, $0x11;
	v3 =	vor.u32 v3, v6;
	v9 =	vand.u32 $0xF800, v5;
	v6 =	vld.idx.msk [tilespmem:v8+s14+$0x0], $0xffff  }
0x13a: {  	s22 =	simm.s32 $0x3170;
	s21 =	simm.s32 $0x0;
	v10 =	vand.u32 $0xF800, v4;
	v16 =	vand.u32 $0x400, v16;
	v12 =	vand.u32 $0xF800, v7;
	v8 =	vld.idx.msk [tilespmem:v17+s14+$0x0], $0xffff  }
.LBB2_11:
0x13b: {  	v17 =	vld [tilespmem:s22+$0x0];
	s21 =	sadd.s32 $0x80, s21;
	v9 =	vor.u32 v11, v9;
	v11 =	vor.u32 v13, v12;
	v12 =	vshrl.u32 v1, $0x11  }
0x13c: {  	v13 =	vand.u32 $0x380, v14;
	v14 =	vand.u32 $0x380, v15;
	v10 =	vor.u32 v16, v10;
	v18 =	vld [tilespmem:s22+$0xFFFFFFE0];
	p0 =	slt.u32 s21, $0x1800  }
0x13d: {  	v9 =	vor.u32 v13, v9;
	v11 =	vor.u32 v14, v11;
	v12 =	vand.u32 $0x380, v12;
	v1 =	vld [tilespmem:s22+$0xFFFFFFF0]  }
0x13e: {  	v5 =	vand.u32 $0x7F, v5;
	v7 =	vand.u32 $0x7F, v7;
	v10 =	vor.u32 v12, v10;
	v14 =	vld [tilespmem:s22+$0xFFFFFFD0];
	[tilespmem:s20+$0x30] =	vst v6  }
0x13f: {  	v4 =	vand.u32 $0x7F, v4;
	v5 =	vor.u32 v5, v9;
	v6 =	vor.u32 v7, v11;
	v2 =	vld.idx.msk [tilespmem:v2+s14+$0x0], $0xffff  }
0x140: {  	v4 =	vor.u32 v4, v10;
	v7 =	vshll.u32 v17, $0x3;
	[tilespmem:s20+$0xFFFFFFC0] =	vst v8;
	v3 =	vld.idx.msk [tilespmem:v3+s14+$0x0], $0xffff  }
0x141: {  	v8 =	vshrl.u32 v17, $0x1;
	v9 =	vand.u32 $0xF87F, v17;
	v7 =	vand.u32 $0x400, v7  }
0x142: {  	v10 =	vshll.u32 v18, $0x3;
	v8 =	vand.u32 $0x380, v8;
	v7 =	vor.u32 v7, v9  }
0x143: {  	v11 =	vshll.u32 v1, $0x3;
	v9 =	vshll.u32 v14, $0x3;
	v7 =	vor.u32 v8, v7  }
0x144: {  	v8 =	vand.u32 $0x400, v9;
	v9 =	vand.u32 $0x400, v10;
	v10 =	vand.u32 $0x400, v11;
	v5 =	vld.idx.msk [tilespmem:v5+s14+$0x0], $0xffff  }
0x145: {  	v13 =	vshrl.u32 v18, $0x1;
	v12 =	vand.u32 $0xF87F, v14;
	v11 =	vshrl.u32 v14, $0x1;
	[tilespmem:s20+$0xFFFFFFE0] =	vst v2  }
0x146: {  	v15 =	vshrl.u32 v17, $0x10;
	v16 =	vshrl.u32 v17, $0xD;
	v2 =	vand.u32 $0xF87F, v18;
	v6 =	vld.idx.msk [tilespmem:v6+s14+$0x0], $0xffff;
	[tilespmem:s20+$0x0] =	vst v3  }
0x147: {  	v17 =	vshrl.u32 v17, $0x11;
	v16 =	vand.u32 $0x400, v16;
	v3 =	vand.u32 $0xF800, v15;
	v4 =	vld.idx.msk [tilespmem:v4+s14+$0x0], $0xffff  }
0x148: {  	v19 =	vshrl.u32 v1, $0x1;
	v3 =	vor.u32 v16, v3;
	v20 =	vld.idx.msk [tilespmem:v7+s14+$0x0], $0xffff;
	v7 =	vand.u32 $0x380, v17  }
0x149: {  	v15 =	vand.u32 $0x7F, v15;
	v16 =	vand.u32 $0xF87F, v1;
	v3 =	vor.u32 v7, v3  }
0x14a: {  	v2 =	vor.u32 v9, v2;
	v7 =	vor.u32 v8, v12;
	v8 =	vor.u32 v15, v3;
	[tilespmem:s20+$0xFFFFFFD0] =	vst v5  }
0x14b: {  	v9 =	vor.u32 v10, v16;
	v3 =	vand.u32 $0x380, v11;
	v5 =	vand.u32 $0x380, v13  }
0x14c: {  	v15 =	vor.u32 v3, v7;
	v2 =	vor.u32 v5, v2;
	v3 =	vand.u32 $0x380, v19;
	[tilespmem:s20+$0xFFFFFFF0] =	vst v6  }
.Ltmp4:
0x14d: {  	v5 =	vshrl.u32 v14, $0x10;
	v6 =	vshrl.u32 v14, $0xD;
	v3 =	vor.u32 v3, v9;
	[tilespmem:s20+$0x10] =	vst v4;
	s20 =	sadd.s32 $0x80, s20;
	(pc) =	sbr.rel @p0 .LBB2_11-.Ltmp4, $4  }
0x14e: {  	v10 =	vshrl.u32 v18, $0xD;
	v7 =	vshrl.u32 v18, $0x10;
	v4 =	vshrl.u32 v1, $0x10;
	[tilespmem:s20+$0x20] =	vst v20  }
0x14f: {  	v16 =	vshrl.u32 v1, $0xD;
	v9 =	vand.u32 $0xF800, v5;
	v11 =	vand.u32 $0x400, v6;
	v6 =	vld.idx.msk [tilespmem:v8+s14+$0x0], $0xffff  }
0x150: {  	v13 =	vand.u32 $0x400, v10;
	v12 =	vand.u32 $0xF800, v7;
	v10 =	vand.u32 $0xF800, v4  }
0x151: {  	s22 =	sadd.s32 $0x40, s22;
	v16 =	vand.u32 $0x400, v16;
	v14 =	vshrl.u32 v14, $0x11;
	v8 =	vld.idx.msk [tilespmem:v15+s14+$0x0], $0xffff;
	v15 =	vshrl.u32 v18, $0x11  }
0x152: {  	_ = 	snop  }
0x153: {  	v9 =	vor.u32 v11, v9;
	v11 =	vor.u32 v13, v12;
	v1 =	vshrl.u32 v1, $0x11  }
0x154: {  	v12 =	vand.u32 $0x380, v14;
	v13 =	vand.u32 $0x380, v15;
	v10 =	vor.u32 v16, v10  }
0x155: {  	v5 =	vand.u32 $0x7F, v5;
	v7 =	vand.u32 $0x7F, v7;
	v9 =	vor.u32 v12, v9  }
0x156: {  	v2 =	vld.idx.msk [tilespmem:v2+s14+$0x0], $0xffff;
	v11 =	vor.u32 v13, v11;
	v1 =	vand.u32 $0x380, v1;
	v5 =	vor.u32 v5, v9  }
0x157: {  	v4 =	vand.u32 $0x7F, v4;
	v3 =	vld.idx.msk [tilespmem:v3+s14+$0x0], $0xffff;
	v1 =	vor.u32 v1, v10;
	v7 =	vor.u32 v7, v11  }
0x158: {  	v1 =	vor.u32 v4, v1;
	_ =	sdelay $0x1  }
0x159: {  	[tilespmem:s20+$0xFFFFFFC0] =	vst v8  }
0x15a: {  	[tilespmem:s20+$0xFFFFFFE0] =	vst v2;
	v4 =	vld.idx.msk [tilespmem:v5+s14+$0x0], $0xffff  }
0x15b: {  	[tilespmem:s20+$0x0] =	vst v3;
	v2 =	vld.idx.msk [tilespmem:v7+s14+$0x0], $0xffff  }
0x15c: {  	v1 =	vld.idx.msk [tilespmem:v1+s14+$0x0], $0xffff;
	_ =	sdelay $0x1  }
0x15d: {  	[tilespmem:s20+$0x30] =	vst v6  }
0x15e: {  	s21 =	sadd.s32 $0x31000, s19;
	[tilespmem:s20+$0xFFFFFFD0] =	vst v4  }
0x15f: {  	s21 =	sshrl.u32 s21, $0x3;
	[tilespmem:s20+$0xFFFFFFF0] =	vst v2  }
0x160: {  	s30 =	sadd.s32 s3, s21;
	[tilespmem:s20+$0x10] =	vst v1  }
0x161: {  	[hbm4b:s30+s10] =	stream.strided.scatter [tilespmem:s12], [sflag:$0x1], $0x1880, s11, s10, $0x38;
	[tilespmem:$0x17B00] =	vst v63  }
0x162: {  	_ =	swait.ge [sflag:s16], $0x1880  }
0x163: {  	[sflag:s16] =	ssyncset.done $0x0  }
0x164: {  	s31 =	simm.s32 $0x3D70;
	[sflag:s16] =	ssyncadd.s32 $0xFFFFE780  }
0x165: {  	v2 =	vld [tilespmem:s31+$0x0]  }
0x166: {  	v15 =	vld [tilespmem:s31+$0xFFFFFFE0]  }
0x167: {  	v1 =	vld [tilespmem:s31+$0xFFFFFFF0]  }
0x168: {  	v14 =	vld [tilespmem:s31+$0xFFFFFFD0];
	_ =	sdelay $0x2  }
0x169: {  	v3 =	vshll.u32 v2, $0x3  }
0x16a: {  	v4 =	vshrl.u32 v2, $0x1;
	v5 =	vand.u32 $0xF87F, v2;
	v6 =	vshll.u32 v15, $0x3  }
0x16b: {  	v7 =	vshll.u32 v1, $0x3;
	v8 =	vand.u32 $0xF87F, v14;
	v9 =	vshrl.u32 v15, $0x1  }
0x16c: {  	v10 =	vand.u32 $0xF87F, v15;
	v11 =	vshrl.u32 v2, $0x10;
	v3 =	vand.u32 $0x400, v3  }
0x16d: {  	v12 =	vshrl.u32 v2, $0xD;
	v4 =	vand.u32 $0x380, v4;
	v3 =	vor.u32 v3, v5  }
0x16e: {  	v2 =	vshrl.u32 v2, $0x11;
	v16 =	vshrl.u32 v1, $0x1;
	v3 =	vor.u32 v4, v3  }
0x16f: {  	v13 =	vand.u32 $0xF800, v11;
	v12 =	vand.u32 $0x400, v12;
	v2 =	vand.u32 $0x380, v2  }
0x170: {  	v5 =	vshll.u32 v14, $0x3;
	v12 =	vor.u32 v12, v13;
	v13 =	vand.u32 $0xF87F, v1  }
0x171: {  	v4 =	vand.u32 $0x400, v5;
	v5 =	vand.u32 $0x400, v6;
	v6 =	vand.u32 $0x400, v7  }
0x172: {  	v11 =	vand.u32 $0x7F, v11;
	v6 =	vor.u32 v6, v13;
	v13 =	vshrl.u32 v15, $0xD  }
0x173: {  	v7 =	vshrl.u32 v14, $0x1;
	v2 =	vor.u32 v2, v12;
	v13 =	vand.u32 $0x400, v13;
	v12 =	vld.idx.msk [tilespmem:v3+s14+$0x0], $0xffff  }
0x174: {  	v3 =	vor.u32 v4, v8;
	v8 =	vor.u32 v11, v2;
	v2 =	vand.u32 $0x380, v7  }
0x175: {  	v4 =	vor.u32 v5, v10;
	v5 =	vand.u32 $0x380, v9;
	v17 =	vor.u32 v2, v3  }
0x176: {  	v10 =	vshrl.u32 v14, $0xD;
	v7 =	vshrl.u32 v15, $0x10;
	v15 =	vshrl.u32 v15, $0x11  }
0x177: {  	s20 =	simm.s32 $0x162C0;
	v2 =	vor.u32 v5, v4;
	v3 =	vand.u32 $0x380, v16;
	v5 =	vshrl.u32 v14, $0x10  }
0x178: {  	v4 =	vshrl.u32 v1, $0x10;
	v11 =	vand.u32 $0x400, v10;
	v16 =	vshrl.u32 v1, $0xD;
	[tilespmem:s20+$0x20] =	vst v12  }
0x179: {  	v14 =	vshrl.u32 v14, $0x11;
	v3 =	vor.u32 v3, v6;
	v9 =	vand.u32 $0xF800, v5;
	v6 =	vld.idx.msk [tilespmem:v8+s14+$0x0], $0xffff  }
0x17a: {  	s22 =	simm.s32 $0x3DB0;
	s21 =	simm.s32 $0x0;
	v10 =	vand.u32 $0xF800, v4;
	v16 =	vand.u32 $0x400, v16;
	v12 =	vand.u32 $0xF800, v7;
	v8 =	vld.idx.msk [tilespmem:v17+s14+$0x0], $0xffff  }
.LBB2_13:
0x17b: {  	v17 =	vld [tilespmem:s22+$0x0];
	s21 =	sadd.s32 $0x80, s21;
	v9 =	vor.u32 v11, v9;
	v11 =	vor.u32 v13, v12;
	v12 =	vshrl.u32 v1, $0x11  }
0x17c: {  	v13 =	vand.u32 $0x380, v14;
	v14 =	vand.u32 $0x380, v15;
	v10 =	vor.u32 v16, v10;
	v18 =	vld [tilespmem:s22+$0xFFFFFFE0];
	p0 =	slt.u32 s21, $0x1800  }
0x17d: {  	v9 =	vor.u32 v13, v9;
	v11 =	vor.u32 v14, v11;
	v12 =	vand.u32 $0x380, v12;
	v1 =	vld [tilespmem:s22+$0xFFFFFFF0]  }
0x17e: {  	v5 =	vand.u32 $0x7F, v5;
	v7 =	vand.u32 $0x7F, v7;
	v10 =	vor.u32 v12, v10;
	v14 =	vld [tilespmem:s22+$0xFFFFFFD0];
	[tilespmem:s20+$0x30] =	vst v6  }
0x17f: {  	v4 =	vand.u32 $0x7F, v4;
	v5 =	vor.u32 v5, v9;
	v6 =	vor.u32 v7, v11;
	v2 =	vld.idx.msk [tilespmem:v2+s14+$0x0], $0xffff  }
0x180: {  	v4 =	vor.u32 v4, v10;
	v7 =	vshll.u32 v17, $0x3;
	[tilespmem:s20+$0xFFFFFFC0] =	vst v8;
	v3 =	vld.idx.msk [tilespmem:v3+s14+$0x0], $0xffff  }
0x181: {  	v8 =	vshrl.u32 v17, $0x1;
	v9 =	vand.u32 $0xF87F, v17;
	v7 =	vand.u32 $0x400, v7  }
0x182: {  	v10 =	vshll.u32 v18, $0x3;
	v8 =	vand.u32 $0x380, v8;
	v7 =	vor.u32 v7, v9  }
0x183: {  	v11 =	vshll.u32 v1, $0x3;
	v9 =	vshll.u32 v14, $0x3;
	v7 =	vor.u32 v8, v7  }
0x184: {  	v8 =	vand.u32 $0x400, v9;
	v9 =	vand.u32 $0x400, v10;
	v10 =	vand.u32 $0x400, v11;
	v5 =	vld.idx.msk [tilespmem:v5+s14+$0x0], $0xffff  }
0x185: {  	v13 =	vshrl.u32 v18, $0x1;
	v12 =	vand.u32 $0xF87F, v14;
	v11 =	vshrl.u32 v14, $0x1;
	[tilespmem:s20+$0xFFFFFFE0] =	vst v2  }
0x186: {  	v15 =	vshrl.u32 v17, $0x10;
	v16 =	vshrl.u32 v17, $0xD;
	v2 =	vand.u32 $0xF87F, v18;
	v6 =	vld.idx.msk [tilespmem:v6+s14+$0x0], $0xffff;
	[tilespmem:s20+$0x0] =	vst v3  }
0x187: {  	v17 =	vshrl.u32 v17, $0x11;
	v16 =	vand.u32 $0x400, v16;
	v3 =	vand.u32 $0xF800, v15;
	v4 =	vld.idx.msk [tilespmem:v4+s14+$0x0], $0xffff  }
0x188: {  	v19 =	vshrl.u32 v1, $0x1;
	v3 =	vor.u32 v16, v3;
	v20 =	vld.idx.msk [tilespmem:v7+s14+$0x0], $0xffff;
	v7 =	vand.u32 $0x380, v17  }
0x189: {  	v15 =	vand.u32 $0x7F, v15;
	v16 =	vand.u32 $0xF87F, v1;
	v3 =	vor.u32 v7, v3  }
0x18a: {  	v2 =	vor.u32 v9, v2;
	v7 =	vor.u32 v8, v12;
	v8 =	vor.u32 v15, v3;
	[tilespmem:s20+$0xFFFFFFD0] =	vst v5  }
0x18b: {  	v9 =	vor.u32 v10, v16;
	v3 =	vand.u32 $0x380, v11;
	v5 =	vand.u32 $0x380, v13  }
0x18c: {  	v15 =	vor.u32 v3, v7;
	v2 =	vor.u32 v5, v2;
	v3 =	vand.u32 $0x380, v19;
	[tilespmem:s20+$0xFFFFFFF0] =	vst v6  }
.Ltmp5:
0x18d: {  	v5 =	vshrl.u32 v14, $0x10;
	v6 =	vshrl.u32 v14, $0xD;
	v3 =	vor.u32 v3, v9;
	[tilespmem:s20+$0x10] =	vst v4;
	s20 =	sadd.s32 $0x80, s20;
	(pc) =	sbr.rel @p0 .LBB2_13-.Ltmp5, $4  }
0x18e: {  	v10 =	vshrl.u32 v18, $0xD;
	v7 =	vshrl.u32 v18, $0x10;
	v4 =	vshrl.u32 v1, $0x10;
	[tilespmem:s20+$0x20] =	vst v20  }
0x18f: {  	v16 =	vshrl.u32 v1, $0xD;
	v9 =	vand.u32 $0xF800, v5;
	v11 =	vand.u32 $0x400, v6;
	v6 =	vld.idx.msk [tilespmem:v8+s14+$0x0], $0xffff  }
0x190: {  	v13 =	vand.u32 $0x400, v10;
	v12 =	vand.u32 $0xF800, v7;
	v10 =	vand.u32 $0xF800, v4  }
0x191: {  	s22 =	sadd.s32 $0x40, s22;
	v16 =	vand.u32 $0x400, v16;
	v14 =	vshrl.u32 v14, $0x11;
	v8 =	vld.idx.msk [tilespmem:v15+s14+$0x0], $0xffff;
	v15 =	vshrl.u32 v18, $0x11  }
0x192: {  	_ = 	snop  }
0x193: {  	v9 =	vor.u32 v11, v9;
	v11 =	vor.u32 v13, v12;
	v1 =	vshrl.u32 v1, $0x11  }
0x194: {  	v12 =	vand.u32 $0x380, v14;
	v13 =	vand.u32 $0x380, v15;
	v10 =	vor.u32 v16, v10  }
0x195: {  	v5 =	vand.u32 $0x7F, v5;
	v7 =	vand.u32 $0x7F, v7;
	v9 =	vor.u32 v12, v9  }
0x196: {  	v2 =	vld.idx.msk [tilespmem:v2+s14+$0x0], $0xffff;
	v11 =	vor.u32 v13, v11;
	v1 =	vand.u32 $0x380, v1;
	v5 =	vor.u32 v5, v9  }
0x197: {  	v4 =	vand.u32 $0x7F, v4;
	v3 =	vld.idx.msk [tilespmem:v3+s14+$0x0], $0xffff;
	v1 =	vor.u32 v1, v10;
	v7 =	vor.u32 v7, v11  }
0x198: {  	v1 =	vor.u32 v4, v1;
	_ =	sdelay $0x1  }
0x199: {  	[tilespmem:s20+$0xFFFFFFC0] =	vst v8  }
0x19a: {  	[tilespmem:s20+$0xFFFFFFE0] =	vst v2;
	v4 =	vld.idx.msk [tilespmem:v5+s14+$0x0], $0xffff  }
0x19b: {  	[tilespmem:s20+$0x0] =	vst v3;
	v2 =	vld.idx.msk [tilespmem:v7+s14+$0x0], $0xffff  }
0x19c: {  	v1 =	vld.idx.msk [tilespmem:v1+s14+$0x0], $0xffff;
	_ =	sdelay $0x1  }
0x19d: {  	[tilespmem:s20+$0x30] =	vst v6  }
0x19e: {  	s21 =	sadd.s32 $0x3D400, s19;
	[tilespmem:s20+$0xFFFFFFD0] =	vst v4  }
0x19f: {  	s21 =	sshrl.u32 s21, $0x3;
	[tilespmem:s20+$0xFFFFFFF0] =	vst v2  }
0x1a0: {  	s30 =	sadd.s32 s3, s21;
	[tilespmem:s20+$0x10] =	vst v1  }
0x1a1: {  	[hbm4b:s30+s10] =	stream.strided.scatter [tilespmem:s13], [sflag:$0x2], $0x1880, s11, s10, $0x38;
	[tilespmem:$0x17B00] =	vst v63  }
0x1a2: {  	_ =	swait.ge [sflag:s15], $0x1880  }
0x1a3: {  	[sflag:s15] =	ssyncset.done $0x0  }
0x1a4: {  	s31 =	simm.s32 $0x49B0;
	[sflag:s15] =	ssyncadd.s32 $0xFFFFE780  }
0x1a5: {  	v2 =	vld [tilespmem:s31+$0x0]  }
0x1a6: {  	v15 =	vld [tilespmem:s31+$0xFFFFFFE0]  }
0x1a7: {  	v1 =	vld [tilespmem:s31+$0xFFFFFFF0]  }
0x1a8: {  	v14 =	vld [tilespmem:s31+$0xFFFFFFD0];
	_ =	sdelay $0x2  }
0x1a9: {  	v3 =	vshll.u32 v2, $0x3  }
0x1aa: {  	v4 =	vshrl.u32 v2, $0x1;
	v5 =	vand.u32 $0xF87F, v2;
	v6 =	vshll.u32 v15, $0x3  }
0x1ab: {  	v7 =	vshll.u32 v1, $0x3;
	v8 =	vand.u32 $0xF87F, v14;
	v9 =	vshrl.u32 v15, $0x1  }
0x1ac: {  	v10 =	vand.u32 $0xF87F, v15;
	v11 =	vshrl.u32 v2, $0x10;
	v3 =	vand.u32 $0x400, v3  }
0x1ad: {  	v12 =	vshrl.u32 v2, $0xD;
	v4 =	vand.u32 $0x380, v4;
	v3 =	vor.u32 v3, v5  }
0x1ae: {  	v2 =	vshrl.u32 v2, $0x11;
	v16 =	vshrl.u32 v1, $0x1;
	v3 =	vor.u32 v4, v3  }
0x1af: {  	v13 =	vand.u32 $0xF800, v11;
	v12 =	vand.u32 $0x400, v12;
	v2 =	vand.u32 $0x380, v2  }
0x1b0: {  	v5 =	vshll.u32 v14, $0x3;
	v12 =	vor.u32 v12, v13;
	v13 =	vand.u32 $0xF87F, v1  }
0x1b1: {  	v4 =	vand.u32 $0x400, v5;
	v5 =	vand.u32 $0x400, v6;
	v6 =	vand.u32 $0x400, v7  }
0x1b2: {  	v11 =	vand.u32 $0x7F, v11;
	v6 =	vor.u32 v6, v13;
	v13 =	vshrl.u32 v15, $0xD  }
0x1b3: {  	v7 =	vshrl.u32 v14, $0x1;
	v2 =	vor.u32 v2, v12;
	v13 =	vand.u32 $0x400, v13;
	v12 =	vld.idx.msk [tilespmem:v3+s14+$0x0], $0xffff  }
0x1b4: {  	v3 =	vor.u32 v4, v8;
	v8 =	vor.u32 v11, v2;
	v2 =	vand.u32 $0x380, v7  }
0x1b5: {  	v4 =	vor.u32 v5, v10;
	v5 =	vand.u32 $0x380, v9;
	v17 =	vor.u32 v2, v3  }
0x1b6: {  	v10 =	vshrl.u32 v14, $0xD;
	v7 =	vshrl.u32 v15, $0x10;
	v15 =	vshrl.u32 v15, $0x11  }
0x1b7: {  	s20 =	simm.s32 $0x14A40;
	v2 =	vor.u32 v5, v4;
	v3 =	vand.u32 $0x380, v16;
	v5 =	vshrl.u32 v14, $0x10  }
0x1b8: {  	v4 =	vshrl.u32 v1, $0x10;
	v11 =	vand.u32 $0x400, v10;
	v16 =	vshrl.u32 v1, $0xD;
	[tilespmem:s20+$0x20] =	vst v12  }
0x1b9: {  	v14 =	vshrl.u32 v14, $0x11;
	v3 =	vor.u32 v3, v6;
	v9 =	vand.u32 $0xF800, v5;
	v6 =	vld.idx.msk [tilespmem:v8+s14+$0x0], $0xffff  }
0x1ba: {  	s22 =	simm.s32 $0x49F0;
	s21 =	simm.s32 $0x0;
	v10 =	vand.u32 $0xF800, v4;
	v16 =	vand.u32 $0x400, v16;
	v12 =	vand.u32 $0xF800, v7;
	v8 =	vld.idx.msk [tilespmem:v17+s14+$0x0], $0xffff  }
.LBB2_15:
0x1bb: {  	v17 =	vld [tilespmem:s22+$0x0];
	s21 =	sadd.s32 $0x80, s21;
	v9 =	vor.u32 v11, v9;
	v11 =	vor.u32 v13, v12;
	v12 =	vshrl.u32 v1, $0x11  }
0x1bc: {  	v13 =	vand.u32 $0x380, v14;
	v14 =	vand.u32 $0x380, v15;
	v10 =	vor.u32 v16, v10;
	v18 =	vld [tilespmem:s22+$0xFFFFFFE0];
	p0 =	slt.u32 s21, $0x1800  }
0x1bd: {  	v9 =	vor.u32 v13, v9;
	v11 =	vor.u32 v14, v11;
	v12 =	vand.u32 $0x380, v12;
	v1 =	vld [tilespmem:s22+$0xFFFFFFF0]  }
0x1be: {  	v5 =	vand.u32 $0x7F, v5;
	v7 =	vand.u32 $0x7F, v7;
	v10 =	vor.u32 v12, v10;
	v14 =	vld [tilespmem:s22+$0xFFFFFFD0];
	[tilespmem:s20+$0x30] =	vst v6  }
0x1bf: {  	v4 =	vand.u32 $0x7F, v4;
	v5 =	vor.u32 v5, v9;
	v6 =	vor.u32 v7, v11;
	v2 =	vld.idx.msk [tilespmem:v2+s14+$0x0], $0xffff  }
0x1c0: {  	v4 =	vor.u32 v4, v10;
	v7 =	vshll.u32 v17, $0x3;
	[tilespmem:s20+$0xFFFFFFC0] =	vst v8;
	v3 =	vld.idx.msk [tilespmem:v3+s14+$0x0], $0xffff  }
0x1c1: {  	v8 =	vshrl.u32 v17, $0x1;
	v9 =	vand.u32 $0xF87F, v17;
	v7 =	vand.u32 $0x400, v7  }
0x1c2: {  	v10 =	vshll.u32 v18, $0x3;
	v8 =	vand.u32 $0x380, v8;
	v7 =	vor.u32 v7, v9  }
0x1c3: {  	v11 =	vshll.u32 v1, $0x3;
	v9 =	vshll.u32 v14, $0x3;
	v7 =	vor.u32 v8, v7  }
0x1c4: {  	v8 =	vand.u32 $0x400, v9;
	v9 =	vand.u32 $0x400, v10;
	v10 =	vand.u32 $0x400, v11;
	v5 =	vld.idx.msk [tilespmem:v5+s14+$0x0], $0xffff  }
0x1c5: {  	v13 =	vshrl.u32 v18, $0x1;
	v12 =	vand.u32 $0xF87F, v14;
	v11 =	vshrl.u32 v14, $0x1;
	[tilespmem:s20+$0xFFFFFFE0] =	vst v2  }
0x1c6: {  	v15 =	vshrl.u32 v17, $0x10;
	v16 =	vshrl.u32 v17, $0xD;
	v2 =	vand.u32 $0xF87F, v18;
	v6 =	vld.idx.msk [tilespmem:v6+s14+$0x0], $0xffff;
	[tilespmem:s20+$0x0] =	vst v3  }
0x1c7: {  	v17 =	vshrl.u32 v17, $0x11;
	v16 =	vand.u32 $0x400, v16;
	v3 =	vand.u32 $0xF800, v15;
	v4 =	vld.idx.msk [tilespmem:v4+s14+$0x0], $0xffff  }
0x1c8: {  	v19 =	vshrl.u32 v1, $0x1;
	v3 =	vor.u32 v16, v3;
	v20 =	vld.idx.msk [tilespmem:v7+s14+$0x0], $0xffff;
	v7 =	vand.u32 $0x380, v17  }
0x1c9: {  	v15 =	vand.u32 $0x7F, v15;
	v16 =	vand.u32 $0xF87F, v1;
	v3 =	vor.u32 v7, v3  }
0x1ca: {  	v2 =	vor.u32 v9, v2;
	v7 =	vor.u32 v8, v12;
	v8 =	vor.u32 v15, v3;
	[tilespmem:s20+$0xFFFFFFD0] =	vst v5  }
0x1cb: {  	v9 =	vor.u32 v10, v16;
	v3 =	vand.u32 $0x380, v11;
	v5 =	vand.u32 $0x380, v13  }
0x1cc: {  	v15 =	vor.u32 v3, v7;
	v2 =	vor.u32 v5, v2;
	v3 =	vand.u32 $0x380, v19;
	[tilespmem:s20+$0xFFFFFFF0] =	vst v6  }
.Ltmp6:
0x1cd: {  	v5 =	vshrl.u32 v14, $0x10;
	v6 =	vshrl.u32 v14, $0xD;
	v3 =	vor.u32 v3, v9;
	[tilespmem:s20+$0x10] =	vst v4;
	s20 =	sadd.s32 $0x80, s20;
	(pc) =	sbr.rel @p0 .LBB2_15-.Ltmp6, $4  }
0x1ce: {  	v10 =	vshrl.u32 v18, $0xD;
	v7 =	vshrl.u32 v18, $0x10;
	v4 =	vshrl.u32 v1, $0x10;
	[tilespmem:s20+$0x20] =	vst v20  }
0x1cf: {  	v16 =	vshrl.u32 v1, $0xD;
	v9 =	vand.u32 $0xF800, v5;
	v11 =	vand.u32 $0x400, v6;
	v6 =	vld.idx.msk [tilespmem:v8+s14+$0x0], $0xffff  }
0x1d0: {  	v13 =	vand.u32 $0x400, v10;
	v12 =	vand.u32 $0xF800, v7;
	v10 =	vand.u32 $0xF800, v4  }
0x1d1: {  	s22 =	sadd.s32 $0x40, s22;
	v16 =	vand.u32 $0x400, v16;
	v14 =	vshrl.u32 v14, $0x11;
	v8 =	vld.idx.msk [tilespmem:v15+s14+$0x0], $0xffff;
	v15 =	vshrl.u32 v18, $0x11  }
0x1d2: {  	_ = 	snop  }
0x1d3: {  	v9 =	vor.u32 v11, v9;
	v11 =	vor.u32 v13, v12;
	v1 =	vshrl.u32 v1, $0x11  }
0x1d4: {  	v12 =	vand.u32 $0x380, v14;
	v13 =	vand.u32 $0x380, v15;
	v10 =	vor.u32 v16, v10  }
0x1d5: {  	v5 =	vand.u32 $0x7F, v5;
	v7 =	vand.u32 $0x7F, v7;
	v9 =	vor.u32 v12, v9  }
0x1d6: {  	v2 =	vld.idx.msk [tilespmem:v2+s14+$0x0], $0xffff;
	v11 =	vor.u32 v13, v11;
	v1 =	vand.u32 $0x380, v1;
	v5 =	vor.u32 v5, v9  }
0x1d7: {  	v4 =	vand.u32 $0x7F, v4;
	v3 =	vld.idx.msk [tilespmem:v3+s14+$0x0], $0xffff;
	v1 =	vor.u32 v1, v10;
	v7 =	vor.u32 v7, v11  }
0x1d8: {  	v1 =	vor.u32 v4, v1;
	_ =	sdelay $0x1  }
0x1d9: {  	[tilespmem:s20+$0xFFFFFFC0] =	vst v8  }
0x1da: {  	[tilespmem:s20+$0xFFFFFFE0] =	vst v2;
	v4 =	vld.idx.msk [tilespmem:v5+s14+$0x0], $0xffff  }
0x1db: {  	[tilespmem:s20+$0x0] =	vst v3;
	v2 =	vld.idx.msk [tilespmem:v7+s14+$0x0], $0xffff  }
0x1dc: {  	v1 =	vld.idx.msk [tilespmem:v1+s14+$0x0], $0xffff;
	_ =	sdelay $0x1  }
0x1dd: {  	[tilespmem:s20+$0x30] =	vst v6  }
0x1de: {  	s21 =	sadd.s32 $0x49800, s19;
	[tilespmem:s20+$0xFFFFFFD0] =	vst v4  }
0x1df: {  	s21 =	sshrl.u32 s21, $0x3;
	[tilespmem:s20+$0xFFFFFFF0] =	vst v2  }
0x1e0: {  	s30 =	sadd.s32 s3, s21;
	[tilespmem:s20+$0x10] =	vst v1  }
0x1e1: {  	[hbm4b:s30+s10] =	stream.strided.scatter [tilespmem:s12], [sflag:$0x1], $0x1880, s11, s10, $0x38;
	[tilespmem:$0x17B00] =	vst v63  }
0x1e2: {  	_ =	swait.ge [sflag:s16], $0x1880  }
0x1e3: {  	[sflag:s16] =	ssyncset.done $0x0  }
0x1e4: {  	s31 =	simm.s32 $0x55F0;
	[sflag:s16] =	ssyncadd.s32 $0xFFFFE780  }
0x1e5: {  	v2 =	vld [tilespmem:s31+$0x0]  }
0x1e6: {  	v15 =	vld [tilespmem:s31+$0xFFFFFFE0]  }
0x1e7: {  	v1 =	vld [tilespmem:s31+$0xFFFFFFF0]  }
0x1e8: {  	v14 =	vld [tilespmem:s31+$0xFFFFFFD0];
	_ =	sdelay $0x2  }
0x1e9: {  	v3 =	vshll.u32 v2, $0x3  }
0x1ea: {  	v4 =	vshrl.u32 v2, $0x1;
	v5 =	vand.u32 $0xF87F, v2;
	v6 =	vshll.u32 v15, $0x3  }
0x1eb: {  	v7 =	vshll.u32 v1, $0x3;
	v8 =	vand.u32 $0xF87F, v14;
	v9 =	vshrl.u32 v15, $0x1  }
0x1ec: {  	v10 =	vand.u32 $0xF87F, v15;
	v11 =	vshrl.u32 v2, $0x10;
	v3 =	vand.u32 $0x400, v3  }
0x1ed: {  	v12 =	vshrl.u32 v2, $0xD;
	v4 =	vand.u32 $0x380, v4;
	v3 =	vor.u32 v3, v5  }
0x1ee: {  	v2 =	vshrl.u32 v2, $0x11;
	v16 =	vshrl.u32 v1, $0x1;
	v3 =	vor.u32 v4, v3  }
0x1ef: {  	v13 =	vand.u32 $0xF800, v11;
	v12 =	vand.u32 $0x400, v12;
	v2 =	vand.u32 $0x380, v2  }
0x1f0: {  	v5 =	vshll.u32 v14, $0x3;
	v12 =	vor.u32 v12, v13;
	v13 =	vand.u32 $0xF87F, v1  }
0x1f1: {  	v4 =	vand.u32 $0x400, v5;
	v5 =	vand.u32 $0x400, v6;
	v6 =	vand.u32 $0x400, v7  }
0x1f2: {  	v11 =	vand.u32 $0x7F, v11;
	v6 =	vor.u32 v6, v13;
	v13 =	vshrl.u32 v15, $0xD  }
0x1f3: {  	v7 =	vshrl.u32 v14, $0x1;
	v2 =	vor.u32 v2, v12;
	v13 =	vand.u32 $0x400, v13;
	v12 =	vld.idx.msk [tilespmem:v3+s14+$0x0], $0xffff  }
0x1f4: {  	v3 =	vor.u32 v4, v8;
	v8 =	vor.u32 v11, v2;
	v2 =	vand.u32 $0x380, v7  }
0x1f5: {  	v4 =	vor.u32 v5, v10;
	v5 =	vand.u32 $0x380, v9;
	v17 =	vor.u32 v2, v3  }
0x1f6: {  	v10 =	vshrl.u32 v14, $0xD;
	v7 =	vshrl.u32 v15, $0x10;
	v15 =	vshrl.u32 v15, $0x11  }
0x1f7: {  	s20 =	simm.s32 $0x162C0;
	v2 =	vor.u32 v5, v4;
	v3 =	vand.u32 $0x380, v16;
	v5 =	vshrl.u32 v14, $0x10  }
0x1f8: {  	v4 =	vshrl.u32 v1, $0x10;
	v11 =	vand.u32 $0x400, v10;
	v16 =	vshrl.u32 v1, $0xD;
	[tilespmem:s20+$0x20] =	vst v12  }
0x1f9: {  	v14 =	vshrl.u32 v14, $0x11;
	v3 =	vor.u32 v3, v6;
	v9 =	vand.u32 $0xF800, v5;
	v6 =	vld.idx.msk [tilespmem:v8+s14+$0x0], $0xffff  }
0x1fa: {  	s22 =	simm.s32 $0x5630;
	s21 =	simm.s32 $0x0;
	v10 =	vand.u32 $0xF800, v4;
	v16 =	vand.u32 $0x400, v16;
	v12 =	vand.u32 $0xF800, v7;
	v8 =	vld.idx.msk [tilespmem:v17+s14+$0x0], $0xffff  }
.LBB2_17:
0x1fb: {  	v17 =	vld [tilespmem:s22+$0x0];
	s21 =	sadd.s32 $0x80, s21;
	v9 =	vor.u32 v11, v9;
	v11 =	vor.u32 v13, v12;
	v12 =	vshrl.u32 v1, $0x11  }
0x1fc: {  	v13 =	vand.u32 $0x380, v14;
	v14 =	vand.u32 $0x380, v15;
	v10 =	vor.u32 v16, v10;
	v18 =	vld [tilespmem:s22+$0xFFFFFFE0];
	p0 =	slt.u32 s21, $0x1800  }
0x1fd: {  	v9 =	vor.u32 v13, v9;
	v11 =	vor.u32 v14, v11;
	v12 =	vand.u32 $0x380, v12;
	v1 =	vld [tilespmem:s22+$0xFFFFFFF0]  }
0x1fe: {  	v5 =	vand.u32 $0x7F, v5;
	v7 =	vand.u32 $0x7F, v7;
	v10 =	vor.u32 v12, v10;
	v14 =	vld [tilespmem:s22+$0xFFFFFFD0];
	[tilespmem:s20+$0x30] =	vst v6  }
0x1ff: {  	v4 =	vand.u32 $0x7F, v4;
	v5 =	vor.u32 v5, v9;
	v6 =	vor.u32 v7, v11;
	v2 =	vld.idx.msk [tilespmem:v2+s14+$0x0], $0xffff  }
0x200: {  	v4 =	vor.u32 v4, v10;
	v7 =	vshll.u32 v17, $0x3;
	[tilespmem:s20+$0xFFFFFFC0] =	vst v8;
	v3 =	vld.idx.msk [tilespmem:v3+s14+$0x0], $0xffff  }
0x201: {  	v8 =	vshrl.u32 v17, $0x1;
	v9 =	vand.u32 $0xF87F, v17;
	v7 =	vand.u32 $0x400, v7  }
0x202: {  	v10 =	vshll.u32 v18, $0x3;
	v8 =	vand.u32 $0x380, v8;
	v7 =	vor.u32 v7, v9  }
0x203: {  	v11 =	vshll.u32 v1, $0x3;
	v9 =	vshll.u32 v14, $0x3;
	v7 =	vor.u32 v8, v7  }
0x204: {  	v8 =	vand.u32 $0x400, v9;
	v9 =	vand.u32 $0x400, v10;
	v10 =	vand.u32 $0x400, v11;
	v5 =	vld.idx.msk [tilespmem:v5+s14+$0x0], $0xffff  }
0x205: {  	v13 =	vshrl.u32 v18, $0x1;
	v12 =	vand.u32 $0xF87F, v14;
	v11 =	vshrl.u32 v14, $0x1;
	[tilespmem:s20+$0xFFFFFFE0] =	vst v2  }
0x206: {  	v15 =	vshrl.u32 v17, $0x10;
	v16 =	vshrl.u32 v17, $0xD;
	v2 =	vand.u32 $0xF87F, v18;
	v6 =	vld.idx.msk [tilespmem:v6+s14+$0x0], $0xffff;
	[tilespmem:s20+$0x0] =	vst v3  }
0x207: {  	v17 =	vshrl.u32 v17, $0x11;
	v16 =	vand.u32 $0x400, v16;
	v3 =	vand.u32 $0xF800, v15;
	v4 =	vld.idx.msk [tilespmem:v4+s14+$0x0], $0xffff  }
0x208: {  	v19 =	vshrl.u32 v1, $0x1;
	v3 =	vor.u32 v16, v3;
	v20 =	vld.idx.msk [tilespmem:v7+s14+$0x0], $0xffff;
	v7 =	vand.u32 $0x380, v17  }
0x209: {  	v15 =	vand.u32 $0x7F, v15;
	v16 =	vand.u32 $0xF87F, v1;
	v3 =	vor.u32 v7, v3  }
0x20a: {  	v2 =	vor.u32 v9, v2;
	v7 =	vor.u32 v8, v12;
	v8 =	vor.u32 v15, v3;
	[tilespmem:s20+$0xFFFFFFD0] =	vst v5  }
0x20b: {  	v9 =	vor.u32 v10, v16;
	v3 =	vand.u32 $0x380, v11;
	v5 =	vand.u32 $0x380, v13  }
0x20c: {  	v15 =	vor.u32 v3, v7;
	v2 =	vor.u32 v5, v2;
	v3 =	vand.u32 $0x380, v19;
	[tilespmem:s20+$0xFFFFFFF0] =	vst v6  }
.Ltmp7:
0x20d: {  	v5 =	vshrl.u32 v14, $0x10;
	v6 =	vshrl.u32 v14, $0xD;
	v3 =	vor.u32 v3, v9;
	[tilespmem:s20+$0x10] =	vst v4;
	s20 =	sadd.s32 $0x80, s20;
	(pc) =	sbr.rel @p0 .LBB2_17-.Ltmp7, $4  }
0x20e: {  	v10 =	vshrl.u32 v18, $0xD;
	v7 =	vshrl.u32 v18, $0x10;
	v4 =	vshrl.u32 v1, $0x10;
	[tilespmem:s20+$0x20] =	vst v20  }
0x20f: {  	v16 =	vshrl.u32 v1, $0xD;
	v9 =	vand.u32 $0xF800, v5;
	v11 =	vand.u32 $0x400, v6;
	v6 =	vld.idx.msk [tilespmem:v8+s14+$0x0], $0xffff  }
0x210: {  	v13 =	vand.u32 $0x400, v10;
	v12 =	vand.u32 $0xF800, v7;
	v10 =	vand.u32 $0xF800, v4  }
0x211: {  	s22 =	sadd.s32 $0x40, s22;
	v16 =	vand.u32 $0x400, v16;
	v14 =	vshrl.u32 v14, $0x11;
	v8 =	vld.idx.msk [tilespmem:v15+s14+$0x0], $0xffff;
	v15 =	vshrl.u32 v18, $0x11  }
0x212: {  	_ = 	snop  }
0x213: {  	v9 =	vor.u32 v11, v9;
	v60 =	vor.u32 v13, v12;
	v1 =	vshrl.u32 v1, $0x11  }
0x214: {  	v61 =	vand.u32 $0x380, v14;
	v62 =	vand.u32 $0x380, v15;
	v10 =	vor.u32 v16, v10  }
0x215: {  	v5 =	vand.u32 $0x7F, v5;
	v7 =	vand.u32 $0x7F, v7;
	v9 =	vor.u32 v61, v9  }
0x216: {  	v2 =	vld.idx.msk [tilespmem:v2+s14+$0x0], $0xffff;
	v11 =	vor.u32 v62, v60;
	v1 =	vand.u32 $0x380, v1;
	v5 =	vor.u32 v5, v9  }
0x217: {  	v4 =	vand.u32 $0x7F, v4;
	v3 =	vld.idx.msk [tilespmem:v3+s14+$0x0], $0xffff;
	v1 =	vor.u32 v1, v10;
	v7 =	vor.u32 v7, v11  }
0x218: {  	v1 =	vor.u32 v4, v1;
	_ =	sdelay $0x1  }
0x219: {  	[tilespmem:s20+$0xFFFFFFC0] =	vst v8  }
0x21a: {  	[tilespmem:s20+$0xFFFFFFE0] =	vst v2;
	v63 =	vld.idx.msk [tilespmem:v5+s14+$0x0], $0xffff  }
0x21b: {  	[tilespmem:s20+$0x0] =	vst v3;
	v2 =	vld.idx.msk [tilespmem:v7+s14+$0x0], $0xffff  }
0x21c: {  	s18 =	sadd.s32 $0x1, s18;
	v1 =	vld.idx.msk [tilespmem:v1+s14+$0x0], $0xffff  }
0x21d: {  	p0 =	sne.s32 s18, $0x18  }
.Ltmp8:
0x21e: {  	[tilespmem:s20+$0x30] =	vst v6;
	(pc) =	sbr.rel @p0 .LBB2_2-.Ltmp8, $4  }
0x21f: {  	s19 =	sadd.s32 $0x55C00, s19;
	[tilespmem:s20+$0xFFFFFFD0] =	vst v63  }
0x220: {  	s19 =	sshrl.u32 s19, $0x3;
	[tilespmem:s20+$0xFFFFFFF0] =	vst v2  }
0x221: {  	s19 =	sadd.s32 s3, s19;
	[tilespmem:s20+$0x10] =	vst v1  }
0x222: {  	[hbm4b:s19+s10] =	stream.strided.scatter [tilespmem:s13], [sflag:$0x2], $0x1880, s11, s10, $0x38;
	[tilespmem:$0x17B00] =	vst v63  }
0x223: {  	s17 =	sadd.s32 $0x1, s17  }
0x224: {  	_ =	swait.ge [sflag:s15], $0x1880;
	p0 =	sne.s32 s17, s8  }
.Ltmp9:
0x225: {  	[sflag:s15] =	ssyncset.done $0x0;
	(pc) =	sbr.rel @p0 .LBB2_1-.Ltmp9, $4  }
0x226: {  	[sflag:s15] =	ssyncadd.s32 $0xFFFFE780  }
0x227: {  	_ =	swait.ge [sflag:s16], $0x1880  }
0x228: {  	[sflag:s16] =	ssyncset.done $0x0  }
0x229: {  	[sflag:s16] =	ssyncadd.s32 $0xFFFFE780  }
0x22a: {  	_ =	sfence.sel $0x180000  }
0x22b: {  	[bflag:$0x0] =	sbarrier.arrive $0xFFFF  }
0x22c: {  	p0 =	sne.s32 s4, $0x0;
	_ =	strace $0x90000047  }
0x22d: {  	s0 =	sadd.s32 @!p0 $0x100000, s0;
	[bflag:$0x2] =	sbarrier.arrive $0xFFFF  }
0x22e: {  	[sflag:s0] =	ssyncadd.tile.s32 @!p0 $0x1;
	_ =	shalt  }
.Lfunc_end2:
_tile_overlayer_lowered:
.L_overlay_start_2:
0x22f: {  	(tag) =	ssettag $0x2  }
0x230: {  	s0 =	rddreg [dreg:$0x0];
	s2 =	stileid.u32  }
0x231: {  	s1 =	rddreg [dreg:$0x1];
	p0 =	sne.s32 s2, $0x0  }
0x232: {  	s3 =	rddreg [dreg:$0x2];
	[bflag:$0x3] =	sbarrier.arrive $0xFFFF;
	s2 =	simm.s32 @!p0 $0x1C03  }
0x233: {  	[timem:s3], [sflag:s2] =	dma.local @!p0 [hbm:s0], s1  }
0x234: {  	s0 =	simm.s32 @!p0 $0x3  }
0x235: {  	_ =	swait.ge @!p0 [sflag:s0], s1  }
0x236: {  	s1 =	ssub.s32 @!p0 $0x0, s1;
	[sflag:s0] =	ssyncset.done @!p0 $0x0  }
0x237: {  	[sflag:s0] =	ssyncadd.s32 @!p0 s1  }
0x238: {  	[bflag:$0x3] =	sbarrier.arrive $0xFFFF  }
0x239: {  	_ =	shalt  }

</sc_bundles>
